<compile_context>
chip_gen: v7x
topology: tpu7x:2x2x1
jax: 0.10.2.dev20260603
libtpu: 0.0.44.dev20260713+nightly
codegen_flags: <defaults>
</compile_context>

<pallas_src>
import functools

import jax
import jax.numpy as jnp
from jax import lax
from jax.experimental import pallas as pl
from jax.experimental.pallas import tpu as pltpu
from jax.experimental.pallas import tpu_sc as plsc

_D = 128
_B = 10
_NC = 2
_NS = 16
_L = 16
_PV = _D // _L
_QR = _D // (_NC * _NS)
_T = _D * _B


def _sc_kernel(ws_hbm, idxs_hbm, out_hbm, idx_v, w_v, wm_v, zp_v, buf,
               sem_i, sem_w):
    wid = lax.axis_index("s") * _NC + lax.axis_index("c")
    qbase = wid * _QR

    cp_i = pltpu.async_copy(idxs_hbm, idx_v, sem_i)
    cp_w = pltpu.async_copy(ws_hbm, w_v, sem_w)
    cp_i.wait()
    cp_w.wait()

    zero = jnp.zeros((_L,), jnp.float32)

    def _prep(pv, carry):
        z_p = zero
        for j in range(_B):
            off = j * _D + pv * _L
            a = idx_v[pl.ds(off, _L)]
            b = idx_v[pl.ds(_T + off, _L)]
            wl = w_v[pl.ds(off, _L)]
            wr = w_v[pl.ds(_T + off, _L)]
            z_p = z_p + jnp.where(a == 0, wl, 0.0) + jnp.where(b == 0, wr, 0.0)
            wm_v[pl.ds(off, _L)] = jnp.where(a > 0, wl, 0.0)
            wm_v[pl.ds(_T + off, _L)] = jnp.where(b > 0, wr, 0.0)
        zp_v[pl.ds(pv * _L, _L)] = z_p
        return carry

    lax.fori_loop(0, _PV, _prep, 0)

    @plsc.parallel_loop(0, _QR, 1, unroll=1)
    def _qloop(qi):
        q = qbase + qi

        def _jbody(j, carry):
            zq0, *accs0 = carry
            s = jnp.full((_L,), j * _D + q, jnp.int32)
            ilq = plsc.load_gather(idx_v, [s])
            irq = plsc.load_gather(idx_v, [s + _T])
            wlq = plsc.load_gather(w_v, [s])
            wrq = plsc.load_gather(w_v, [s + _T])
            zq0 = (zq0 + jnp.where(ilq == 0, wlq, 0.0)
                   + jnp.where(irq == 0, wrq, 0.0))
            accs0 = list(accs0)
            for pv in range(_PV):
                off = j * _D + pv * _L
                a = idx_v[pl.ds(off, _L)]
                b = idx_v[pl.ds(_T + off, _L)]
                wlm = wm_v[pl.ds(off, _L)]
                wrm = wm_v[pl.ds(_T + off, _L)]
                t = jnp.where(a == ilq, wlm * wlq, 0.0)
                t = t + jnp.where(a == irq, wlm * wrq, 0.0)
                t = t + jnp.where(b == ilq, wrm * wlq, 0.0)
                t = t + jnp.where(b == irq, wrm * wrq, 0.0)
                accs0[pv] = accs0[pv] + t
            return (zq0, *accs0)

        zq, *accs = lax.fori_loop(0, _B, _jbody, (zero,) * (_PV + 1))
        for pv in range(_PV):
            buf[pl.ds(qi * _D + pv * _L, _L)] = (
                accs[pv] + zq * zp_v[pl.ds(pv * _L, _L)])

    pltpu.sync_copy(buf, out_hbm.at[pl.ds(qbase * _D, _QR * _D)])


def kernel(left_w, right_w, left_idx, right_idx):
    ws = jnp.concatenate([left_w.T.ravel(), right_w.T.ravel()])
    idxs = jnp.concatenate([left_idx.T.ravel(), right_idx.T.ravel()])
    mesh = plsc.VectorSubcoreMesh(
        core_axis_name="c", subcore_axis_name="s", num_cores=_NC)
    f = functools.partial(
        pl.kernel,
        mesh=mesh,
        compiler_params=pltpu.CompilerParams(needs_layout_passes=False),
        out_type=jax.ShapeDtypeStruct((_D * _D,), jnp.float32),
        scratch_types=[
            pltpu.VMEM((2 * _T,), jnp.int32),
            pltpu.VMEM((2 * _T,), jnp.float32),
            pltpu.VMEM((2 * _T,), jnp.float32),
            pltpu.VMEM((_D,), jnp.float32),
            pltpu.VMEM((_QR * _D,), jnp.float32),
            pltpu.SemaphoreType.DMA,
            pltpu.SemaphoreType.DMA,
        ],
    )(_sc_kernel)
    return f(ws, idxs).reshape(_D, _D)

# --- scband reference (transcript-rebuilt; emitter-appended) ---
"""Pipeline reference for scband-fourier-grid-1726576856417 (READ-ONLY COPY).

The authoritative reference and input builder live on the scoring server;
editing this copy changes nothing except your own understanding.
"""

import jax, jax.numpy as jnp
import numpy as np

GRID_LEN = 1000
BAND_NUM = 10
DATA_POINT_NUM = 128


def _gamma_x_i(x, i):
    # NOTE: faithful to the original buggy expression (2 ^ i // 2) which is
    # XOR, i.e. 2 XOR (i // 2), NOT exponentiation.
    if i % 2 == 0:
        raw = np.sin((2 ^ (i // 2)) * np.pi * x)
    else:
        raw = np.cos((2 ^ (i // 2)) * np.pi * x)
    return (raw + 1.0) / 2.0


def _build_tables():
    D, B, G = DATA_POINT_NUM, BAND_NUM, GRID_LEN
    left_idx = np.zeros((D, B), dtype=np.int32)
    right_idx = np.zeros((D, B), dtype=np.int32)
    left_w = np.zeros((D, B), dtype=np.float32)
    right_w = np.zeros((D, B), dtype=np.float32)
    for idx in range(D):
        real_x = idx / D
        for jdx in range(B):
            fourier = _gamma_x_i(real_x, jdx)
            # float64 floor semantics identical to original int(fourier // (1/G))
            lg = int(fourier // (1.0 / G))
            rg = lg + 1
            if lg > 0:
                left_idx[idx, jdx] = G * jdx + lg
                left_w[idx, jdx] = abs(fourier - rg * 1.0 / G) * G
            # else: original writes nothing -> weight stays 0, index 0 is a safe clamp
            if rg < G:
                right_idx[idx, jdx] = G * jdx + rg
                right_w[idx, jdx] = abs(fourier - lg * 1.0 / G) * G
    return left_idx, right_idx, left_w, right_w


def setup_inputs() -> dict:
    li, ri, lw, rw = _build_tables()
    return {
        "left_w": jnp.asarray(lw),
        "right_w": jnp.asarray(rw),
        "left_idx": jnp.asarray(li),
        "right_idx": jnp.asarray(ri),
    }


def reference(left_w, right_w, left_idx, right_idx):
    D, B = left_w.shape
    GB = GRID_LEN * BAND_NUM
    rows = jnp.repeat(jnp.arange(D, dtype=jnp.int32), B)
    J = jnp.zeros((D, GB), dtype=jnp.float32)
    # scatter the linear-interpolation weights into the sparse jacobian
    # (no collisions: each (point, band) owns two distinct columns in its band,
    #  so .add reproduces the original assignment semantics; masked-out entries
    #  add 0.0 at clamped index 0)
    J = J.at[rows, left_idx.ravel()].add(left_w.ravel())
    J = J.at[rows, right_idx.ravel()].add(right_w.ravel())
    # result_matrix = J @ J^T
    return jnp.matmul(J, J.T)

if __name__ == "__main__":
    import jax
    _d = setup_inputs()
    print(jax.jit(kernel)(*tuple(_d.values())))

</pallas_src>

<mosaic_0001>
#map = affine_map<(d0, d1) -> (0)>
module attributes {stable_mosaic.version = 14 : i64} {
  func.func @_sc_kernel(%arg0: i32, %arg1: i32, %arg2: memref<2560xf32, #tpu.memory_space<hbm>>, %arg3: memref<2560xi32, #tpu.memory_space<hbm>>, %arg4: memref<16384xf32, #tpu.memory_space<hbm>>, %arg5: memref<2560xi32, #tpu.memory_space<vmem>>, %arg6: memref<2560xf32, #tpu.memory_space<vmem>>, %arg7: memref<2560xf32, #tpu.memory_space<vmem>>, %arg8: memref<128xf32, #tpu.memory_space<vmem>>, %arg9: memref<512xf32, #tpu.memory_space<vmem>>, %arg10: memref<!tpu.dma_semaphore, #tpu.memory_space<semaphore_mem>>, %arg11: memref<!tpu.dma_semaphore, #tpu.memory_space<semaphore_mem>>) attributes {dimension_semantics = [#tpu.dimension_semantics<core_parallel>, #tpu.dimension_semantics<subcore_parallel>], iteration_bounds = array<i64: 2, 16>, scalar_prefetch = 0 : i64, scratch_operands = 7 : i64, tpu.core_type = #tpu.core_type<sc_vector_subcore>, window_params = [{transform_indices = #map}, {transform_indices = #map}, {transform_indices = #map}]} {
    %mul3A = arith.constant 2 : i32
    %mul3A_0 = arith.muli %arg1, %mul3A : i32
    %add3A = arith.addi %mul3A_0, %arg0 : i32
    %mul3A_1 = arith.constant 4 : i32
    %mul3A_2 = arith.muli %add3A, %mul3A_1 : i32
    tpu.enqueue_dma source(%arg3 : memref<2560xi32, #tpu.memory_space<hbm>>) target(%arg5 : memref<2560xi32, #tpu.memory_space<vmem>>) target_semaphore(%arg10 : memref<!tpu.dma_semaphore, #tpu.memory_space<semaphore_mem>>)
    tpu.enqueue_dma source(%arg2 : memref<2560xf32, #tpu.memory_space<hbm>>) target(%arg6 : memref<2560xf32, #tpu.memory_space<vmem>>) target_semaphore(%arg11 : memref<!tpu.dma_semaphore, #tpu.memory_space<semaphore_mem>>)
    tpu.wait_dma2 semaphore(%arg10 : memref<!tpu.dma_semaphore, #tpu.memory_space<semaphore_mem>>) src(%arg3 : memref<2560xi32, #tpu.memory_space<hbm>>) dst(%arg5 : memref<2560xi32, #tpu.memory_space<vmem>>)
    tpu.wait_dma2 semaphore(%arg11 : memref<!tpu.dma_semaphore, #tpu.memory_space<semaphore_mem>>) src(%arg2 : memref<2560xf32, #tpu.memory_space<hbm>>) dst(%arg6 : memref<2560xf32, #tpu.memory_space<vmem>>)
    %broadcast_in_dim3A = arith.constant 0.000000e+00 : f32
    %broadcast_in_dim3A_3 = vector.broadcast %broadcast_in_dim3A : f32 to vector<16xf32>
    %scan3A = arith.constant 0 : i32
    %scan3A_4 = arith.constant 0 : i32
    %scan3A_5 = arith.constant 8 : i32
    %scan3A_6 = arith.addi %scan3A_4, %scan3A_5 : i32
    %scan3A_7 = arith.constant 1 : i32
    scf.for %scan3A_13 = %scan3A_4 to %scan3A_6 step %scan3A_7  : i32 {
      %mul3A_14 = arith.constant 16 : i32
      %mul3A_15 = arith.muli %scan3A_13, %mul3A_14 : i32
      %add3A_16 = arith.constant 0 : i32
      %add3A_17 = arith.addi %add3A_16, %mul3A_15 : i32
      %get3A = arith.index_cast %add3A_17 : i32 to index
      %get3A_18 = tpu.vector_load %arg5[%get3A] {strides = array<i32>} : memref<2560xi32, #tpu.memory_space<vmem>>, vector<16xi32>,
      %add3A_19 = arith.constant 1280 : i32
      %add3A_20 = arith.addi %add3A_19, %add3A_17 : i32
      %get3A_21 = arith.index_cast %add3A_20 : i32 to index
      %get3A_22 = tpu.vector_load %arg5[%get3A_21] {strides = array<i32>} : memref<2560xi32, #tpu.memory_space<vmem>>, vector<16xi32>,
      %get3A_23 = arith.index_cast %add3A_17 : i32 to index
      %get3A_24 = tpu.vector_load %arg6[%get3A_23] {strides = array<i32>} : memref<2560xf32, #tpu.memory_space<vmem>>, vector<16xf32>,
      %add3A_25 = arith.constant 1280 : i32
      %add3A_26 = arith.addi %add3A_25, %add3A_17 : i32
      %get3A_27 = arith.index_cast %add3A_26 : i32 to index
      %get3A_28 = tpu.vector_load %arg6[%get3A_27] {strides = array<i32>} : memref<2560xf32, #tpu.memory_space<vmem>>, vector<16xf32>,
      %eq3A = arith.constant 0 : i32
      %eq3A_29 = vector.broadcast %eq3A : i32 to vector<16xi32>
      %eq3A_30 = arith.cmpi eq, %get3A_18, %eq3A_29 : vector<16xi32>
      %jit3A = arith.constant 0.000000e+00 : f32
      %broadcast_in_dim3A_31 = vector.broadcast %jit3A : f32 to vector<16xf32>
      %select_n3A = arith.select %eq3A_30, %get3A_24, %broadcast_in_dim3A_31 : vector<16xi1>, vector<16xf32>
      %add3A_32 = arith.addf %broadcast_in_dim3A_3, %select_n3A : vector<16xf32>
      %eq3A_33 = arith.constant 0 : i32
      %eq3A_34 = vector.broadcast %eq3A_33 : i32 to vector<16xi32>
      %eq3A_35 = arith.cmpi eq, %get3A_22, %eq3A_34 : vector<16xi32>
      %jit3A_36 = arith.constant 0.000000e+00 : f32
      %broadcast_in_dim3A_37 = vector.broadcast %jit3A_36 : f32 to vector<16xf32>
      %select_n3A_38 = arith.select %eq3A_35, %get3A_28, %broadcast_in_dim3A_37 : vector<16xi1>, vector<16xf32>
      %add3A_39 = arith.addf %add3A_32, %select_n3A_38 : vector<16xf32>
      %gt3A = arith.constant 0 : i32
      %gt3A_40 = vector.broadcast %gt3A : i32 to vector<16xi32>
      %gt3A_41 = arith.cmpi sgt, %get3A_18, %gt3A_40 : vector<16xi32>
      %jit3A_42 = arith.constant 0.000000e+00 : f32
      %broadcast_in_dim3A_43 = vector.broadcast %jit3A_42 : f32 to vector<16xf32>
      %select_n3A_44 = arith.select %gt3A_41, %get3A_24, %broadcast_in_dim3A_43 : vector<16xi1>, vector<16xf32>
      %swap3A = arith.index_cast %add3A_17 : i32 to index
      %swap3A_45 = tpu.vector_load %arg7[%swap3A] {strides = array<i32>} : memref<2560xf32, #tpu.memory_space<vmem>>, vector<16xf32>,
      tpu.vector_store %arg7[%swap3A], %select_n3A_44 {strides = array<i32>} : memref<2560xf32, #tpu.memory_space<vmem>>, vector<16xf32>,
      %gt3A_46 = arith.constant 0 : i32
      %gt3A_47 = vector.broadcast %gt3A_46 : i32 to vector<16xi32>
      %gt3A_48 = arith.cmpi sgt, %get3A_22, %gt3A_47 : vector<16xi32>
      %jit3A_49 = arith.constant 0.000000e+00 : f32
      %broadcast_in_dim3A_50 = vector.broadcast %jit3A_49 : f32 to vector<16xf32>
      %select_n3A_51 = arith.select %gt3A_48, %get3A_28, %broadcast_in_dim3A_50 : vector<16xi1>, vector<16xf32>
      %add3A_52 = arith.constant 1280 : i32
      %add3A_53 = arith.addi %add3A_52, %add3A_17 : i32
      %swap3A_54 = arith.index_cast %add3A_53 : i32 to index
      %swap3A_55 = tpu.vector_load %arg7[%swap3A_54] {strides = array<i32>} : memref<2560xf32, #tpu.memory_space<vmem>>, vector<16xf32>,
      tpu.vector_store %arg7[%swap3A_54], %select_n3A_51 {strides = array<i32>} : memref<2560xf32, #tpu.memory_space<vmem>>, vector<16xf32>,
      %mul3A_56 = arith.constant 16 : i32
      %mul3A_57 = arith.muli %scan3A_13, %mul3A_56 : i32
      %add3A_58 = arith.constant 128 : i32
      %add3A_59 = arith.addi %add3A_58, %mul3A_57 : i32
      %get3A_60 = arith.index_cast %add3A_59 : i32 to index
      %get3A_61 = tpu.vector_load %arg5[%get3A_60] {strides = array<i32>} : memref<2560xi32, #tpu.memory_space<vmem>>, vector<16xi32>,
      %add3A_62 = arith.constant 1280 : i32
      %add3A_63 = arith.addi %add3A_62, %add3A_59 : i32
      %get3A_64 = arith.index_cast %add3A_63 : i32 to index
      %get3A_65 = tpu.vector_load %arg5[%get3A_64] {strides = array<i32>} : memref<2560xi32, #tpu.memory_space<vmem>>, vector<16xi32>,
      %get3A_66 = arith.index_cast %add3A_59 : i32 to index
      %get3A_67 = tpu.vector_load %arg6[%get3A_66] {strides = array<i32>} : memref<2560xf32, #tpu.memory_space<vmem>>, vector<16xf32>,
      %add3A_68 = arith.constant 1280 : i32
      %add3A_69 = arith.addi %add3A_68, %add3A_59 : i32
      %get3A_70 = arith.index_cast %add3A_69 : i32 to index
      %get3A_71 = tpu.vector_load %arg6[%get3A_70] {strides = array<i32>} : memref<2560xf32, #tpu.memory_space<vmem>>, vector<16xf32>,
      %eq3A_72 = arith.constant 0 : i32
      %eq3A_73 = vector.broadcast %eq3A_72 : i32 to vector<16xi32>
      %eq3A_74 = arith.cmpi eq, %get3A_61, %eq3A_73 : vector<16xi32>
      %jit3A_75 = arith.constant 0.000000e+00 : f32
      %broadcast_in_dim3A_76 = vector.broadcast %jit3A_75 : f32 to vector<16xf32>
      %select_n3A_77 = arith.select %eq3A_74, %get3A_67, %broadcast_in_dim3A_76 : vector<16xi1>, vector<16xf32>
      %add3A_78 = arith.addf %add3A_39, %select_n3A_77 : vector<16xf32>
      %eq3A_79 = arith.constant 0 : i32
      %eq3A_80 = vector.broadcast %eq3A_79 : i32 to vector<16xi32>
      %eq3A_81 = arith.cmpi eq, %get3A_65, %eq3A_80 : vector<16xi32>
      %jit3A_82 = arith.constant 0.000000e+00 : f32
      %broadcast_in_dim3A_83 = vector.broadcast %jit3A_82 : f32 to vector<16xf32>
      %select_n3A_84 = arith.select %eq3A_81, %get3A_71, %broadcast_in_dim3A_83 : vector<16xi1>, vector<16xf32>
      %add3A_85 = arith.addf %add3A_78, %select_n3A_84 : vector<16xf32>
      %gt3A_86 = arith.constant 0 : i32
      %gt3A_87 = vector.broadcast %gt3A_86 : i32 to vector<16xi32>
      %gt3A_88 = arith.cmpi sgt, %get3A_61, %gt3A_87 : vector<16xi32>
      %jit3A_89 = arith.constant 0.000000e+00 : f32
      %broadcast_in_dim3A_90 = vector.broadcast %jit3A_89 : f32 to vector<16xf32>
      %select_n3A_91 = arith.select %gt3A_88, %get3A_67, %broadcast_in_dim3A_90 : vector<16xi1>, vector<16xf32>
      %swap3A_92 = arith.index_cast %add3A_59 : i32 to index
      %swap3A_93 = tpu.vector_load %arg7[%swap3A_92] {strides = array<i32>} : memref<2560xf32, #tpu.memory_space<vmem>>, vector<16xf32>,
      tpu.vector_store %arg7[%swap3A_92], %select_n3A_91 {strides = array<i32>} : memref<2560xf32, #tpu.memory_space<vmem>>, vector<16xf32>,
      %gt3A_94 = arith.constant 0 : i32
      %gt3A_95 = vector.broadcast %gt3A_94 : i32 to vector<16xi32>
      %gt3A_96 = arith.cmpi sgt, %get3A_65, %gt3A_95 : vector<16xi32>
      %jit3A_97 = arith.constant 0.000000e+00 : f32
      %broadcast_in_dim3A_98 = vector.broadcast %jit3A_97 : f32 to vector<16xf32>
      %select_n3A_99 = arith.select %gt3A_96, %get3A_71, %broadcast_in_dim3A_98 : vector<16xi1>, vector<16xf32>
      %add3A_100 = arith.constant 1280 : i32
      %add3A_101 = arith.addi %add3A_100, %add3A_59 : i32
      %swap3A_102 = arith.index_cast %add3A_101 : i32 to index
      %swap3A_103 = tpu.vector_load %arg7[%swap3A_102] {strides = array<i32>} : memref<2560xf32, #tpu.memory_space<vmem>>, vector<16xf32>,
      tpu.vector_store %arg7[%swap3A_102], %select_n3A_99 {strides = array<i32>} : memref<2560xf32, #tpu.memory_space<vmem>>, vector<16xf32>,
      %mul3A_104 = arith.constant 16 : i32
      %mul3A_105 = arith.muli %scan3A_13, %mul3A_104 : i32
      %add3A_106 = arith.constant 256 : i32
      %add3A_107 = arith.addi %add3A_106, %mul3A_105 : i32
      %get3A_108 = arith.index_cast %add3A_107 : i32 to index
      %get3A_109 = tpu.vector_load %arg5[%get3A_108] {strides = array<i32>} : memref<2560xi32, #tpu.memory_space<vmem>>, vector<16xi32>,
      %add3A_110 = arith.constant 1280 : i32
      %add3A_111 = arith.addi %add3A_110, %add3A_107 : i32
      %get3A_112 = arith.index_cast %add3A_111 : i32 to index
      %get3A_113 = tpu.vector_load %arg5[%get3A_112] {strides = array<i32>} : memref<2560xi32, #tpu.memory_space<vmem>>, vector<16xi32>,
      %get3A_114 = arith.index_cast %add3A_107 : i32 to index
      %get3A_115 = tpu.vector_load %arg6[%get3A_114] {strides = array<i32>} : memref<2560xf32, #tpu.memory_space<vmem>>, vector<16xf32>,
      %add3A_116 = arith.constant 1280 : i32
      %add3A_117 = arith.addi %add3A_116, %add3A_107 : i32
      %get3A_118 = arith.index_cast %add3A_117 : i32 to index
      %get3A_119 = tpu.vector_load %arg6[%get3A_118] {strides = array<i32>} : memref<2560xf32, #tpu.memory_space<vmem>>, vector<16xf32>,
      %eq3A_120 = arith.constant 0 : i32
      %eq3A_121 = vector.broadcast %eq3A_120 : i32 to vector<16xi32>
      %eq3A_122 = arith.cmpi eq, %get3A_109, %eq3A_121 : vector<16xi32>
      %jit3A_123 = arith.constant 0.000000e+00 : f32
      %broadcast_in_dim3A_124 = vector.broadcast %jit3A_123 : f32 to vector<16xf32>
      %select_n3A_125 = arith.select %eq3A_122, %get3A_115, %broadcast_in_dim3A_124 : vector<16xi1>, vector<16xf32>
      %add3A_126 = arith.addf %add3A_85, %select_n3A_125 : vector<16xf32>
      %eq3A_127 = arith.constant 0 : i32
      %eq3A_128 = vector.broadcast %eq3A_127 : i32 to vector<16xi32>
      %eq3A_129 = arith.cmpi eq, %get3A_113, %eq3A_128 : vector<16xi32>
      %jit3A_130 = arith.constant 0.000000e+00 : f32
      %broadcast_in_dim3A_131 = vector.broadcast %jit3A_130 : f32 to vector<16xf32>
      %select_n3A_132 = arith.select %eq3A_129, %get3A_119, %broadcast_in_dim3A_131 : vector<16xi1>, vector<16xf32>
      %add3A_133 = arith.addf %add3A_126, %select_n3A_132 : vector<16xf32>
      %gt3A_134 = arith.constant 0 : i32
      %gt3A_135 = vector.broadcast %gt3A_134 : i32 to vector<16xi32>
      %gt3A_136 = arith.cmpi sgt, %get3A_109, %gt3A_135 : vector<16xi32>
      %jit3A_137 = arith.constant 0.000000e+00 : f32
      %broadcast_in_dim3A_138 = vector.broadcast %jit3A_137 : f32 to vector<16xf32>
      %select_n3A_139 = arith.select %gt3A_136, %get3A_115, %broadcast_in_dim3A_138 : vector<16xi1>, vector<16xf32>
      %swap3A_140 = arith.index_cast %add3A_107 : i32 to index
      %swap3A_141 = tpu.vector_load %arg7[%swap3A_140] {strides = array<i32>} : memref<2560xf32, #tpu.memory_space<vmem>>, vector<16xf32>,
      tpu.vector_store %arg7[%swap3A_140], %select_n3A_139 {strides = array<i32>} : memref<2560xf32, #tpu.memory_space<vmem>>, vector<16xf32>,
      %gt3A_142 = arith.constant 0 : i32
      %gt3A_143 = vector.broadcast %gt3A_142 : i32 to vector<16xi32>
      %gt3A_144 = arith.cmpi sgt, %get3A_113, %gt3A_143 : vector<16xi32>
      %jit3A_145 = arith.constant 0.000000e+00 : f32
      %broadcast_in_dim3A_146 = vector.broadcast %jit3A_145 : f32 to vector<16xf32>
      %select_n3A_147 = arith.select %gt3A_144, %get3A_119, %broadcast_in_dim3A_146 : vector<16xi1>, vector<16xf32>
      %add3A_148 = arith.constant 1280 : i32
      %add3A_149 = arith.addi %add3A_148, %add3A_107 : i32
      %swap3A_150 = arith.index_cast %add3A_149 : i32 to index
      %swap3A_151 = tpu.vector_load %arg7[%swap3A_150] {strides = array<i32>} : memref<2560xf32, #tpu.memory_space<vmem>>, vector<16xf32>,
      tpu.vector_store %arg7[%swap3A_150], %select_n3A_147 {strides = array<i32>} : memref<2560xf32, #tpu.memory_space<vmem>>, vector<16xf32>,
      %mul3A_152 = arith.constant 16 : i32
      %mul3A_153 = arith.muli %scan3A_13, %mul3A_152 : i32
      %add3A_154 = arith.constant 384 : i32
      %add3A_155 = arith.addi %add3A_154, %mul3A_153 : i32
      %get3A_156 = arith.index_cast %add3A_155 : i32 to index
      %get3A_157 = tpu.vector_load %arg5[%get3A_156] {strides = array<i32>} : memref<2560xi32, #tpu.memory_space<vmem>>, vector<16xi32>,
      %add3A_158 = arith.constant 1280 : i32
      %add3A_159 = arith.addi %add3A_158, %add3A_155 : i32
      %get3A_160 = arith.index_cast %add3A_159 : i32 to index
      %get3A_161 = tpu.vector_load %arg5[%get3A_160] {strides = array<i32>} : memref<2560xi32, #tpu.memory_space<vmem>>, vector<16xi32>,
      %get3A_162 = arith.index_cast %add3A_155 : i32 to index
      %get3A_163 = tpu.vector_load %arg6[%get3A_162] {strides = array<i32>} : memref<2560xf32, #tpu.memory_space<vmem>>, vector<16xf32>,
      %add3A_164 = arith.constant 1280 : i32
      %add3A_165 = arith.addi %add3A_164, %add3A_155 : i32
      %get3A_166 = arith.index_cast %add3A_165 : i32 to index
      %get3A_167 = tpu.vector_load %arg6[%get3A_166] {strides = array<i32>} : memref<2560xf32, #tpu.memory_space<vmem>>, vector<16xf32>,
      %eq3A_168 = arith.constant 0 : i32
      %eq3A_169 = vector.broadcast %eq3A_168 : i32 to vector<16xi32>
      %eq3A_170 = arith.cmpi eq, %get3A_157, %eq3A_169 : vector<16xi32>
      %jit3A_171 = arith.constant 0.000000e+00 : f32
      %broadcast_in_dim3A_172 = vector.broadcast %jit3A_171 : f32 to vector<16xf32>
      %select_n3A_173 = arith.select %eq3A_170, %get3A_163, %broadcast_in_dim3A_172 : vector<16xi1>, vector<16xf32>
      %add3A_174 = arith.addf %add3A_133, %select_n3A_173 : vector<16xf32>
      %eq3A_175 = arith.constant 0 : i32
      %eq3A_176 = vector.broadcast %eq3A_175 : i32 to vector<16xi32>
      %eq3A_177 = arith.cmpi eq, %get3A_161, %eq3A_176 : vector<16xi32>
      %jit3A_178 = arith.constant 0.000000e+00 : f32
      %broadcast_in_dim3A_179 = vector.broadcast %jit3A_178 : f32 to vector<16xf32>
      %select_n3A_180 = arith.select %eq3A_177, %get3A_167, %broadcast_in_dim3A_179 : vector<16xi1>, vector<16xf32>
      %add3A_181 = arith.addf %add3A_174, %select_n3A_180 : vector<16xf32>
      %gt3A_182 = arith.constant 0 : i32
      %gt3A_183 = vector.broadcast %gt3A_182 : i32 to vector<16xi32>
      %gt3A_184 = arith.cmpi sgt, %get3A_157, %gt3A_183 : vector<16xi32>
      %jit3A_185 = arith.constant 0.000000e+00 : f32
      %broadcast_in_dim3A_186 = vector.broadcast %jit3A_185 : f32 to vector<16xf32>
      %select_n3A_187 = arith.select %gt3A_184, %get3A_163, %broadcast_in_dim3A_186 : vector<16xi1>, vector<16xf32>
      %swap3A_188 = arith.index_cast %add3A_155 : i32 to index
      %swap3A_189 = tpu.vector_load %arg7[%swap3A_188] {strides = array<i32>} : memref<2560xf32, #tpu.memory_space<vmem>>, vector<16xf32>,
      tpu.vector_store %arg7[%swap3A_188], %select_n3A_187 {strides = array<i32>} : memref<2560xf32, #tpu.memory_space<vmem>>, vector<16xf32>,
      %gt3A_190 = arith.constant 0 : i32
      %gt3A_191 = vector.broadcast %gt3A_190 : i32 to vector<16xi32>
      %gt3A_192 = arith.cmpi sgt, %get3A_161, %gt3A_191 : vector<16xi32>
      %jit3A_193 = arith.constant 0.000000e+00 : f32
      %broadcast_in_dim3A_194 = vector.broadcast %jit3A_193 : f32 to vector<16xf32>
      %select_n3A_195 = arith.select %gt3A_192, %get3A_167, %broadcast_in_dim3A_194 : vector<16xi1>, vector<16xf32>
      %add3A_196 = arith.constant 1280 : i32
      %add3A_197 = arith.addi %add3A_196, %add3A_155 : i32
      %swap3A_198 = arith.index_cast %add3A_197 : i32 to index
      %swap3A_199 = tpu.vector_load %arg7[%swap3A_198] {strides = array<i32>} : memref<2560xf32, #tpu.memory_space<vmem>>, vector<16xf32>,
      tpu.vector_store %arg7[%swap3A_198], %select_n3A_195 {strides = array<i32>} : memref<2560xf32, #tpu.memory_space<vmem>>, vector<16xf32>,
      %mul3A_200 = arith.constant 16 : i32
      %mul3A_201 = arith.muli %scan3A_13, %mul3A_200 : i32
      %add3A_202 = arith.constant 512 : i32
      %add3A_203 = arith.addi %add3A_202, %mul3A_201 : i32
      %get3A_204 = arith.index_cast %add3A_203 : i32 to index
      %get3A_205 = tpu.vector_load %arg5[%get3A_204] {strides = array<i32>} : memref<2560xi32, #tpu.memory_space<vmem>>, vector<16xi32>,
      %add3A_206 = arith.constant 1280 : i32
      %add3A_207 = arith.addi %add3A_206, %add3A_203 : i32
      %get3A_208 = arith.index_cast %add3A_207 : i32 to index
      %get3A_209 = tpu.vector_load %arg5[%get3A_208] {strides = array<i32>} : memref<2560xi32, #tpu.memory_space<vmem>>, vector<16xi32>,
      %get3A_210 = arith.index_cast %add3A_203 : i32 to index
      %get3A_211 = tpu.vector_load %arg6[%get3A_210] {strides = array<i32>} : memref<2560xf32, #tpu.memory_space<vmem>>, vector<16xf32>,
      %add3A_212 = arith.constant 1280 : i32
      %add3A_213 = arith.addi %add3A_212, %add3A_203 : i32
      %get3A_214 = arith.index_cast %add3A_213 : i32 to index
      %get3A_215 = tpu.vector_load %arg6[%get3A_214] {strides = array<i32>} : memref<2560xf32, #tpu.memory_space<vmem>>, vector<16xf32>,
      %eq3A_216 = arith.constant 0 : i32
      %eq3A_217 = vector.broadcast %eq3A_216 : i32 to vector<16xi32>
      %eq3A_218 = arith.cmpi eq, %get3A_205, %eq3A_217 : vector<16xi32>
      %jit3A_219 = arith.constant 0.000000e+00 : f32
      %broadcast_in_dim3A_220 = vector.broadcast %jit3A_219 : f32 to vector<16xf32>
      %select_n3A_221 = arith.select %eq3A_218, %get3A_211, %broadcast_in_dim3A_220 : vector<16xi1>, vector<16xf32>
      %add3A_222 = arith.addf %add3A_181, %select_n3A_221 : vector<16xf32>
      %eq3A_223 = arith.constant 0 : i32
      %eq3A_224 = vector.broadcast %eq3A_223 : i32 to vector<16xi32>
      %eq3A_225 = arith.cmpi eq, %get3A_209, %eq3A_224 : vector<16xi32>
      %jit3A_226 = arith.constant 0.000000e+00 : f32
      %broadcast_in_dim3A_227 = vector.broadcast %jit3A_226 : f32 to vector<16xf32>
      %select_n3A_228 = arith.select %eq3A_225, %get3A_215, %broadcast_in_dim3A_227 : vector<16xi1>, vector<16xf32>
      %add3A_229 = arith.addf %add3A_222, %select_n3A_228 : vector<16xf32>
      %gt3A_230 = arith.constant 0 : i32
      %gt3A_231 = vector.broadcast %gt3A_230 : i32 to vector<16xi32>
      %gt3A_232 = arith.cmpi sgt, %get3A_205, %gt3A_231 : vector<16xi32>
      %jit3A_233 = arith.constant 0.000000e+00 : f32
      %broadcast_in_dim3A_234 = vector.broadcast %jit3A_233 : f32 to vector<16xf32>
      %select_n3A_235 = arith.select %gt3A_232, %get3A_211, %broadcast_in_dim3A_234 : vector<16xi1>, vector<16xf32>
      %swap3A_236 = arith.index_cast %add3A_203 : i32 to index
      %swap3A_237 = tpu.vector_load %arg7[%swap3A_236] {strides = array<i32>} : memref<2560xf32, #tpu.memory_space<vmem>>, vector<16xf32>,
      tpu.vector_store %arg7[%swap3A_236], %select_n3A_235 {strides = array<i32>} : memref<2560xf32, #tpu.memory_space<vmem>>, vector<16xf32>,
      %gt3A_238 = arith.constant 0 : i32
      %gt3A_239 = vector.broadcast %gt3A_238 : i32 to vector<16xi32>
      %gt3A_240 = arith.cmpi sgt, %get3A_209, %gt3A_239 : vector<16xi32>
      %jit3A_241 = arith.constant 0.000000e+00 : f32
      %broadcast_in_dim3A_242 = vector.broadcast %jit3A_241 : f32 to vector<16xf32>
      %select_n3A_243 = arith.select %gt3A_240, %get3A_215, %broadcast_in_dim3A_242 : vector<16xi1>, vector<16xf32>
      %add3A_244 = arith.constant 1280 : i32
      %add3A_245 = arith.addi %add3A_244, %add3A_203 : i32
      %swap3A_246 = arith.index_cast %add3A_245 : i32 to index
      %swap3A_247 = tpu.vector_load %arg7[%swap3A_246] {strides = array<i32>} : memref<2560xf32, #tpu.memory_space<vmem>>, vector<16xf32>,
      tpu.vector_store %arg7[%swap3A_246], %select_n3A_243 {strides = array<i32>} : memref<2560xf32, #tpu.memory_space<vmem>>, vector<16xf32>,
      %mul3A_248 = arith.constant 16 : i32
      %mul3A_249 = arith.muli %scan3A_13, %mul3A_248 : i32
      %add3A_250 = arith.constant 640 : i32
      %add3A_251 = arith.addi %add3A_250, %mul3A_249 : i32
      %get3A_252 = arith.index_cast %add3A_251 : i32 to index
      %get3A_253 = tpu.vector_load %arg5[%get3A_252] {strides = array<i32>} : memref<2560xi32, #tpu.memory_space<vmem>>, vector<16xi32>,
      %add3A_254 = arith.constant 1280 : i32
      %add3A_255 = arith.addi %add3A_254, %add3A_251 : i32
      %get3A_256 = arith.index_cast %add3A_255 : i32 to index
      %get3A_257 = tpu.vector_load %arg5[%get3A_256] {strides = array<i32>} : memref<2560xi32, #tpu.memory_space<vmem>>, vector<16xi32>,
      %get3A_258 = arith.index_cast %add3A_251 : i32 to index
      %get3A_259 = tpu.vector_load %arg6[%get3A_258] {strides = array<i32>} : memref<2560xf32, #tpu.memory_space<vmem>>, vector<16xf32>,
      %add3A_260 = arith.constant 1280 : i32
      %add3A_261 = arith.addi %add3A_260, %add3A_251 : i32
      %get3A_262 = arith.index_cast %add3A_261 : i32 to index
      %get3A_263 = tpu.vector_load %arg6[%get3A_262] {strides = array<i32>} : memref<2560xf32, #tpu.memory_space<vmem>>, vector<16xf32>,
      %eq3A_264 = arith.constant 0 : i32
      %eq3A_265 = vector.broadcast %eq3A_264 : i32 to vector<16xi32>
      %eq3A_266 = arith.cmpi eq, %get3A_253, %eq3A_265 : vector<16xi32>
      %jit3A_267 = arith.constant 0.000000e+00 : f32
      %broadcast_in_dim3A_268 = vector.broadcast %jit3A_267 : f32 to vector<16xf32>
      %select_n3A_269 = arith.select %eq3A_266, %get3A_259, %broadcast_in_dim3A_268 : vector<16xi1>, vector<16xf32>
      %add3A_270 = arith.addf %add3A_229, %select_n3A_269 : vector<16xf32>
      %eq3A_271 = arith.constant 0 : i32
      %eq3A_272 = vector.broadcast %eq3A_271 : i32 to vector<16xi32>
      %eq3A_273 = arith.cmpi eq, %get3A_257, %eq3A_272 : vector<16xi32>
      %jit3A_274 = arith.constant 0.000000e+00 : f32
      %broadcast_in_dim3A_275 = vector.broadcast %jit3A_274 : f32 to vector<16xf32>
      %select_n3A_276 = arith.select %eq3A_273, %get3A_263, %broadcast_in_dim3A_275 : vector<16xi1>, vector<16xf32>
      %add3A_277 = arith.addf %add3A_270, %select_n3A_276 : vector<16xf32>
      %gt3A_278 = arith.constant 0 : i32
      %gt3A_279 = vector.broadcast %gt3A_278 : i32 to vector<16xi32>
      %gt3A_280 = arith.cmpi sgt, %get3A_253, %gt3A_279 : vector<16xi32>
      %jit3A_281 = arith.constant 0.000000e+00 : f32
      %broadcast_in_dim3A_282 = vector.broadcast %jit3A_281 : f32 to vector<16xf32>
      %select_n3A_283 = arith.select %gt3A_280, %get3A_259, %broadcast_in_dim3A_282 : vector<16xi1>, vector<16xf32>
      %swap3A_284 = arith.index_cast %add3A_251 : i32 to index
      %swap3A_285 = tpu.vector_load %arg7[%swap3A_284] {strides = array<i32>} : memref<2560xf32, #tpu.memory_space<vmem>>, vector<16xf32>,
      tpu.vector_store %arg7[%swap3A_284], %select_n3A_283 {strides = array<i32>} : memref<2560xf32, #tpu.memory_space<vmem>>, vector<16xf32>,
      %gt3A_286 = arith.constant 0 : i32
      %gt3A_287 = vector.broadcast %gt3A_286 : i32 to vector<16xi32>
      %gt3A_288 = arith.cmpi sgt, %get3A_257, %gt3A_287 : vector<16xi32>
      %jit3A_289 = arith.constant 0.000000e+00 : f32
      %broadcast_in_dim3A_290 = vector.broadcast %jit3A_289 : f32 to vector<16xf32>
      %select_n3A_291 = arith.select %gt3A_288, %get3A_263, %broadcast_in_dim3A_290 : vector<16xi1>, vector<16xf32>
      %add3A_292 = arith.constant 1280 : i32
      %add3A_293 = arith.addi %add3A_292, %add3A_251 : i32
      %swap3A_294 = arith.index_cast %add3A_293 : i32 to index
      %swap3A_295 = tpu.vector_load %arg7[%swap3A_294] {strides = array<i32>} : memref<2560xf32, #tpu.memory_space<vmem>>, vector<16xf32>,
      tpu.vector_store %arg7[%swap3A_294], %select_n3A_291 {strides = array<i32>} : memref<2560xf32, #tpu.memory_space<vmem>>, vector<16xf32>,
      %mul3A_296 = arith.constant 16 : i32
      %mul3A_297 = arith.muli %scan3A_13, %mul3A_296 : i32
      %add3A_298 = arith.constant 768 : i32
      %add3A_299 = arith.addi %add3A_298, %mul3A_297 : i32
      %get3A_300 = arith.index_cast %add3A_299 : i32 to index
      %get3A_301 = tpu.vector_load %arg5[%get3A_300] {strides = array<i32>} : memref<2560xi32, #tpu.memory_space<vmem>>, vector<16xi32>,
      %add3A_302 = arith.constant 1280 : i32
      %add3A_303 = arith.addi %add3A_302, %add3A_299 : i32
      %get3A_304 = arith.index_cast %add3A_303 : i32 to index
      %get3A_305 = tpu.vector_load %arg5[%get3A_304] {strides = array<i32>} : memref<2560xi32, #tpu.memory_space<vmem>>, vector<16xi32>,
      %get3A_306 = arith.index_cast %add3A_299 : i32 to index
      %get3A_307 = tpu.vector_load %arg6[%get3A_306] {strides = array<i32>} : memref<2560xf32, #tpu.memory_space<vmem>>, vector<16xf32>,
      %add3A_308 = arith.constant 1280 : i32
      %add3A_309 = arith.addi %add3A_308, %add3A_299 : i32
      %get3A_310 = arith.index_cast %add3A_309 : i32 to index
      %get3A_311 = tpu.vector_load %arg6[%get3A_310] {strides = array<i32>} : memref<2560xf32, #tpu.memory_space<vmem>>, vector<16xf32>,
      %eq3A_312 = arith.constant 0 : i32
      %eq3A_313 = vector.broadcast %eq3A_312 : i32 to vector<16xi32>
      %eq3A_314 = arith.cmpi eq, %get3A_301, %eq3A_313 : vector<16xi32>
      %jit3A_315 = arith.constant 0.000000e+00 : f32
      %broadcast_in_dim3A_316 = vector.broadcast %jit3A_315 : f32 to vector<16xf32>
      %select_n3A_317 = arith.select %eq3A_314, %get3A_307, %broadcast_in_dim3A_316 : vector<16xi1>, vector<16xf32>
      %add3A_318 = arith.addf %add3A_277, %select_n3A_317 : vector<16xf32>
      %eq3A_319 = arith.constant 0 : i32
      %eq3A_320 = vector.broadcast %eq3A_319 : i32 to vector<16xi32>
      %eq3A_321 = arith.cmpi eq, %get3A_305, %eq3A_320 : vector<16xi32>
      %jit3A_322 = arith.constant 0.000000e+00 : f32
      %broadcast_in_dim3A_323 = vector.broadcast %jit3A_322 : f32 to vector<16xf32>
      %select_n3A_324 = arith.select %eq3A_321, %get3A_311, %broadcast_in_dim3A_323 : vector<16xi1>, vector<16xf32>
      %add3A_325 = arith.addf %add3A_318, %select_n3A_324 : vector<16xf32>
      %gt3A_326 = arith.constant 0 : i32
      %gt3A_327 = vector.broadcast %gt3A_326 : i32 to vector<16xi32>
      %gt3A_328 = arith.cmpi sgt, %get3A_301, %gt3A_327 : vector<16xi32>
      %jit3A_329 = arith.constant 0.000000e+00 : f32
      %broadcast_in_dim3A_330 = vector.broadcast %jit3A_329 : f32 to vector<16xf32>
      %select_n3A_331 = arith.select %gt3A_328, %get3A_307, %broadcast_in_dim3A_330 : vector<16xi1>, vector<16xf32>
      %swap3A_332 = arith.index_cast %add3A_299 : i32 to index
      %swap3A_333 = tpu.vector_load %arg7[%swap3A_332] {strides = array<i32>} : memref<2560xf32, #tpu.memory_space<vmem>>, vector<16xf32>,
      tpu.vector_store %arg7[%swap3A_332], %select_n3A_331 {strides = array<i32>} : memref<2560xf32, #tpu.memory_space<vmem>>, vector<16xf32>,
      %gt3A_334 = arith.constant 0 : i32
      %gt3A_335 = vector.broadcast %gt3A_334 : i32 to vector<16xi32>
      %gt3A_336 = arith.cmpi sgt, %get3A_305, %gt3A_335 : vector<16xi32>
      %jit3A_337 = arith.constant 0.000000e+00 : f32
      %broadcast_in_dim3A_338 = vector.broadcast %jit3A_337 : f32 to vector<16xf32>
      %select_n3A_339 = arith.select %gt3A_336, %get3A_311, %broadcast_in_dim3A_338 : vector<16xi1>, vector<16xf32>
      %add3A_340 = arith.constant 1280 : i32
      %add3A_341 = arith.addi %add3A_340, %add3A_299 : i32
      %swap3A_342 = arith.index_cast %add3A_341 : i32 to index
      %swap3A_343 = tpu.vector_load %arg7[%swap3A_342] {strides = array<i32>} : memref<2560xf32, #tpu.memory_space<vmem>>, vector<16xf32>,
      tpu.vector_store %arg7[%swap3A_342], %select_n3A_339 {strides = array<i32>} : memref<2560xf32, #tpu.memory_space<vmem>>, vector<16xf32>,
      %mul3A_344 = arith.constant 16 : i32
      %mul3A_345 = arith.muli %scan3A_13, %mul3A_344 : i32
      %add3A_346 = arith.constant 896 : i32
      %add3A_347 = arith.addi %add3A_346, %mul3A_345 : i32
      %get3A_348 = arith.index_cast %add3A_347 : i32 to index
      %get3A_349 = tpu.vector_load %arg5[%get3A_348] {strides = array<i32>} : memref<2560xi32, #tpu.memory_space<vmem>>, vector<16xi32>,
      %add3A_350 = arith.constant 1280 : i32
      %add3A_351 = arith.addi %add3A_350, %add3A_347 : i32
      %get3A_352 = arith.index_cast %add3A_351 : i32 to index
      %get3A_353 = tpu.vector_load %arg5[%get3A_352] {strides = array<i32>} : memref<2560xi32, #tpu.memory_space<vmem>>, vector<16xi32>,
      %get3A_354 = arith.index_cast %add3A_347 : i32 to index
      %get3A_355 = tpu.vector_load %arg6[%get3A_354] {strides = array<i32>} : memref<2560xf32, #tpu.memory_space<vmem>>, vector<16xf32>,
      %add3A_356 = arith.constant 1280 : i32
      %add3A_357 = arith.addi %add3A_356, %add3A_347 : i32
      %get3A_358 = arith.index_cast %add3A_357 : i32 to index
      %get3A_359 = tpu.vector_load %arg6[%get3A_358] {strides = array<i32>} : memref<2560xf32, #tpu.memory_space<vmem>>, vector<16xf32>,
      %eq3A_360 = arith.constant 0 : i32
      %eq3A_361 = vector.broadcast %eq3A_360 : i32 to vector<16xi32>
      %eq3A_362 = arith.cmpi eq, %get3A_349, %eq3A_361 : vector<16xi32>
      %jit3A_363 = arith.constant 0.000000e+00 : f32
      %broadcast_in_dim3A_364 = vector.broadcast %jit3A_363 : f32 to vector<16xf32>
      %select_n3A_365 = arith.select %eq3A_362, %get3A_355, %broadcast_in_dim3A_364 : vector<16xi1>, vector<16xf32>
      %add3A_366 = arith.addf %add3A_325, %select_n3A_365 : vector<16xf32>
      %eq3A_367 = arith.constant 0 : i32
      %eq3A_368 = vector.broadcast %eq3A_367 : i32 to vector<16xi32>
      %eq3A_369 = arith.cmpi eq, %get3A_353, %eq3A_368 : vector<16xi32>
      %jit3A_370 = arith.constant 0.000000e+00 : f32
      %broadcast_in_dim3A_371 = vector.broadcast %jit3A_370 : f32 to vector<16xf32>
      %select_n3A_372 = arith.select %eq3A_369, %get3A_359, %broadcast_in_dim3A_371 : vector<16xi1>, vector<16xf32>
      %add3A_373 = arith.addf %add3A_366, %select_n3A_372 : vector<16xf32>
      %gt3A_374 = arith.constant 0 : i32
      %gt3A_375 = vector.broadcast %gt3A_374 : i32 to vector<16xi32>
      %gt3A_376 = arith.cmpi sgt, %get3A_349, %gt3A_375 : vector<16xi32>
      %jit3A_377 = arith.constant 0.000000e+00 : f32
      %broadcast_in_dim3A_378 = vector.broadcast %jit3A_377 : f32 to vector<16xf32>
      %select_n3A_379 = arith.select %gt3A_376, %get3A_355, %broadcast_in_dim3A_378 : vector<16xi1>, vector<16xf32>
      %swap3A_380 = arith.index_cast %add3A_347 : i32 to index
      %swap3A_381 = tpu.vector_load %arg7[%swap3A_380] {strides = array<i32>} : memref<2560xf32, #tpu.memory_space<vmem>>, vector<16xf32>,
      tpu.vector_store %arg7[%swap3A_380], %select_n3A_379 {strides = array<i32>} : memref<2560xf32, #tpu.memory_space<vmem>>, vector<16xf32>,
      %gt3A_382 = arith.constant 0 : i32
      %gt3A_383 = vector.broadcast %gt3A_382 : i32 to vector<16xi32>
      %gt3A_384 = arith.cmpi sgt, %get3A_353, %gt3A_383 : vector<16xi32>
      %jit3A_385 = arith.constant 0.000000e+00 : f32
      %broadcast_in_dim3A_386 = vector.broadcast %jit3A_385 : f32 to vector<16xf32>
      %select_n3A_387 = arith.select %gt3A_384, %get3A_359, %broadcast_in_dim3A_386 : vector<16xi1>, vector<16xf32>
      %add3A_388 = arith.constant 1280 : i32
      %add3A_389 = arith.addi %add3A_388, %add3A_347 : i32
      %swap3A_390 = arith.index_cast %add3A_389 : i32 to index
      %swap3A_391 = tpu.vector_load %arg7[%swap3A_390] {strides = array<i32>} : memref<2560xf32, #tpu.memory_space<vmem>>, vector<16xf32>,
      tpu.vector_store %arg7[%swap3A_390], %select_n3A_387 {strides = array<i32>} : memref<2560xf32, #tpu.memory_space<vmem>>, vector<16xf32>,
      %mul3A_392 = arith.constant 16 : i32
      %mul3A_393 = arith.muli %scan3A_13, %mul3A_392 : i32
      %add3A_394 = arith.constant 1024 : i32
      %add3A_395 = arith.addi %add3A_394, %mul3A_393 : i32
      %get3A_396 = arith.index_cast %add3A_395 : i32 to index
      %get3A_397 = tpu.vector_load %arg5[%get3A_396] {strides = array<i32>} : memref<2560xi32, #tpu.memory_space<vmem>>, vector<16xi32>,
      %add3A_398 = arith.constant 1280 : i32
      %add3A_399 = arith.addi %add3A_398, %add3A_395 : i32
      %get3A_400 = arith.index_cast %add3A_399 : i32 to index
      %get3A_401 = tpu.vector_load %arg5[%get3A_400] {strides = array<i32>} : memref<2560xi32, #tpu.memory_space<vmem>>, vector<16xi32>,
      %get3A_402 = arith.index_cast %add3A_395 : i32 to index
      %get3A_403 = tpu.vector_load %arg6[%get3A_402] {strides = array<i32>} : memref<2560xf32, #tpu.memory_space<vmem>>, vector<16xf32>,
      %add3A_404 = arith.constant 1280 : i32
      %add3A_405 = arith.addi %add3A_404, %add3A_395 : i32
      %get3A_406 = arith.index_cast %add3A_405 : i32 to index
      %get3A_407 = tpu.vector_load %arg6[%get3A_406] {strides = array<i32>} : memref<2560xf32, #tpu.memory_space<vmem>>, vector<16xf32>,
      %eq3A_408 = arith.constant 0 : i32
      %eq3A_409 = vector.broadcast %eq3A_408 : i32 to vector<16xi32>
      %eq3A_410 = arith.cmpi eq, %get3A_397, %eq3A_409 : vector<16xi32>
      %jit3A_411 = arith.constant 0.000000e+00 : f32
      %broadcast_in_dim3A_412 = vector.broadcast %jit3A_411 : f32 to vector<16xf32>
      %select_n3A_413 = arith.select %eq3A_410, %get3A_403, %broadcast_in_dim3A_412 : vector<16xi1>, vector<16xf32>
      %add3A_414 = arith.addf %add3A_373, %select_n3A_413 : vector<16xf32>
      %eq3A_415 = arith.constant 0 : i32
      %eq3A_416 = vector.broadcast %eq3A_415 : i32 to vector<16xi32>
      %eq3A_417 = arith.cmpi eq, %get3A_401, %eq3A_416 : vector<16xi32>
      %jit3A_418 = arith.constant 0.000000e+00 : f32
      %broadcast_in_dim3A_419 = vector.broadcast %jit3A_418 : f32 to vector<16xf32>
      %select_n3A_420 = arith.select %eq3A_417, %get3A_407, %broadcast_in_dim3A_419 : vector<16xi1>, vector<16xf32>
      %add3A_421 = arith.addf %add3A_414, %select_n3A_420 : vector<16xf32>
      %gt3A_422 = arith.constant 0 : i32
      %gt3A_423 = vector.broadcast %gt3A_422 : i32 to vector<16xi32>
      %gt3A_424 = arith.cmpi sgt, %get3A_397, %gt3A_423 : vector<16xi32>
      %jit3A_425 = arith.constant 0.000000e+00 : f32
      %broadcast_in_dim3A_426 = vector.broadcast %jit3A_425 : f32 to vector<16xf32>
      %select_n3A_427 = arith.select %gt3A_424, %get3A_403, %broadcast_in_dim3A_426 : vector<16xi1>, vector<16xf32>
      %swap3A_428 = arith.index_cast %add3A_395 : i32 to index
      %swap3A_429 = tpu.vector_load %arg7[%swap3A_428] {strides = array<i32>} : memref<2560xf32, #tpu.memory_space<vmem>>, vector<16xf32>,
      tpu.vector_store %arg7[%swap3A_428], %select_n3A_427 {strides = array<i32>} : memref<2560xf32, #tpu.memory_space<vmem>>, vector<16xf32>,
      %gt3A_430 = arith.constant 0 : i32
      %gt3A_431 = vector.broadcast %gt3A_430 : i32 to vector<16xi32>
      %gt3A_432 = arith.cmpi sgt, %get3A_401, %gt3A_431 : vector<16xi32>
      %jit3A_433 = arith.constant 0.000000e+00 : f32
      %broadcast_in_dim3A_434 = vector.broadcast %jit3A_433 : f32 to vector<16xf32>
      %select_n3A_435 = arith.select %gt3A_432, %get3A_407, %broadcast_in_dim3A_434 : vector<16xi1>, vector<16xf32>
      %add3A_436 = arith.constant 1280 : i32
      %add3A_437 = arith.addi %add3A_436, %add3A_395 : i32
      %swap3A_438 = arith.index_cast %add3A_437 : i32 to index
      %swap3A_439 = tpu.vector_load %arg7[%swap3A_438] {strides = array<i32>} : memref<2560xf32, #tpu.memory_space<vmem>>, vector<16xf32>,
      tpu.vector_store %arg7[%swap3A_438], %select_n3A_435 {strides = array<i32>} : memref<2560xf32, #tpu.memory_space<vmem>>, vector<16xf32>,
      %mul3A_440 = arith.constant 16 : i32
      %mul3A_441 = arith.muli %scan3A_13, %mul3A_440 : i32
      %add3A_442 = arith.constant 1152 : i32
      %add3A_443 = arith.addi %add3A_442, %mul3A_441 : i32
      %get3A_444 = arith.index_cast %add3A_443 : i32 to index
      %get3A_445 = tpu.vector_load %arg5[%get3A_444] {strides = array<i32>} : memref<2560xi32, #tpu.memory_space<vmem>>, vector<16xi32>,
      %add3A_446 = arith.constant 1280 : i32
      %add3A_447 = arith.addi %add3A_446, %add3A_443 : i32
      %get3A_448 = arith.index_cast %add3A_447 : i32 to index
      %get3A_449 = tpu.vector_load %arg5[%get3A_448] {strides = array<i32>} : memref<2560xi32, #tpu.memory_space<vmem>>, vector<16xi32>,
      %get3A_450 = arith.index_cast %add3A_443 : i32 to index
      %get3A_451 = tpu.vector_load %arg6[%get3A_450] {strides = array<i32>} : memref<2560xf32, #tpu.memory_space<vmem>>, vector<16xf32>,
      %add3A_452 = arith.constant 1280 : i32
      %add3A_453 = arith.addi %add3A_452, %add3A_443 : i32
      %get3A_454 = arith.index_cast %add3A_453 : i32 to index
      %get3A_455 = tpu.vector_load %arg6[%get3A_454] {strides = array<i32>} : memref<2560xf32, #tpu.memory_space<vmem>>, vector<16xf32>,
      %eq3A_456 = arith.constant 0 : i32
      %eq3A_457 = vector.broadcast %eq3A_456 : i32 to vector<16xi32>
      %eq3A_458 = arith.cmpi eq, %get3A_445, %eq3A_457 : vector<16xi32>
      %jit3A_459 = arith.constant 0.000000e+00 : f32
      %broadcast_in_dim3A_460 = vector.broadcast %jit3A_459 : f32 to vector<16xf32>
      %select_n3A_461 = arith.select %eq3A_458, %get3A_451, %broadcast_in_dim3A_460 : vector<16xi1>, vector<16xf32>
      %add3A_462 = arith.addf %add3A_421, %select_n3A_461 : vector<16xf32>
      %eq3A_463 = arith.constant 0 : i32
      %eq3A_464 = vector.broadcast %eq3A_463 : i32 to vector<16xi32>
      %eq3A_465 = arith.cmpi eq, %get3A_449, %eq3A_464 : vector<16xi32>
      %jit3A_466 = arith.constant 0.000000e+00 : f32
      %broadcast_in_dim3A_467 = vector.broadcast %jit3A_466 : f32 to vector<16xf32>
      %select_n3A_468 = arith.select %eq3A_465, %get3A_455, %broadcast_in_dim3A_467 : vector<16xi1>, vector<16xf32>
      %add3A_469 = arith.addf %add3A_462, %select_n3A_468 : vector<16xf32>
      %gt3A_470 = arith.constant 0 : i32
      %gt3A_471 = vector.broadcast %gt3A_470 : i32 to vector<16xi32>
      %gt3A_472 = arith.cmpi sgt, %get3A_445, %gt3A_471 : vector<16xi32>
      %jit3A_473 = arith.constant 0.000000e+00 : f32
      %broadcast_in_dim3A_474 = vector.broadcast %jit3A_473 : f32 to vector<16xf32>
      %select_n3A_475 = arith.select %gt3A_472, %get3A_451, %broadcast_in_dim3A_474 : vector<16xi1>, vector<16xf32>
      %swap3A_476 = arith.index_cast %add3A_443 : i32 to index
      %swap3A_477 = tpu.vector_load %arg7[%swap3A_476] {strides = array<i32>} : memref<2560xf32, #tpu.memory_space<vmem>>, vector<16xf32>,
      tpu.vector_store %arg7[%swap3A_476], %select_n3A_475 {strides = array<i32>} : memref<2560xf32, #tpu.memory_space<vmem>>, vector<16xf32>,
      %gt3A_478 = arith.constant 0 : i32
      %gt3A_479 = vector.broadcast %gt3A_478 : i32 to vector<16xi32>
      %gt3A_480 = arith.cmpi sgt, %get3A_449, %gt3A_479 : vector<16xi32>
      %jit3A_481 = arith.constant 0.000000e+00 : f32
      %broadcast_in_dim3A_482 = vector.broadcast %jit3A_481 : f32 to vector<16xf32>
      %select_n3A_483 = arith.select %gt3A_480, %get3A_455, %broadcast_in_dim3A_482 : vector<16xi1>, vector<16xf32>
      %add3A_484 = arith.constant 1280 : i32
      %add3A_485 = arith.addi %add3A_484, %add3A_443 : i32
      %swap3A_486 = arith.index_cast %add3A_485 : i32 to index
      %swap3A_487 = tpu.vector_load %arg7[%swap3A_486] {strides = array<i32>} : memref<2560xf32, #tpu.memory_space<vmem>>, vector<16xf32>,
      tpu.vector_store %arg7[%swap3A_486], %select_n3A_483 {strides = array<i32>} : memref<2560xf32, #tpu.memory_space<vmem>>, vector<16xf32>,
      %mul3A_488 = arith.constant 16 : i32
      %mul3A_489 = arith.muli %scan3A_13, %mul3A_488 : i32
      %swap3A_490 = arith.index_cast %mul3A_489 : i32 to index
      %swap3A_491 = tpu.vector_load %arg8[%swap3A_490] {strides = array<i32>} : memref<128xf32, #tpu.memory_space<vmem>>, vector<16xf32>,
      tpu.vector_store %arg8[%swap3A_490], %add3A_469 {strides = array<i32>} : memref<128xf32, #tpu.memory_space<vmem>>, vector<16xf32>,
    }
    %scan3A_8 = arith.constant 8 : i32
    %parallel_loop3A = arith.constant 0 : i32
    %parallel_loop3A_9 = arith.constant 4 : i32
    %parallel_loop3A_10 = arith.constant 1 : i32
    scf.for %parallel_loop3A_13 = %parallel_loop3A to %parallel_loop3A_9 step %parallel_loop3A_10  : i32 {
      %parallel_loop3A_14 = arith.addi %mul3A_2, %parallel_loop3A_13 : i32
      %parallel_loop3A_15 = arith.constant 0 : i32
      %parallel_loop3A_16 = arith.constant 10 : i32
      %parallel_loop3A_17 = arith.addi %parallel_loop3A_15, %parallel_loop3A_16 : i32
      %parallel_loop3A_18 = arith.constant 1 : i32
      %parallel_loop3A_19:9 = scf.for %scan3A_101 = %parallel_loop3A_15 to %parallel_loop3A_17 step %parallel_loop3A_18 iter_args(%scan3A_102 = %broadcast_in_dim3A_3, %scan3A_103 = %broadcast_in_dim3A_3, %scan3A_104 = %broadcast_in_dim3A_3, %scan3A_105 = %broadcast_in_dim3A_3, %scan3A_106 = %broadcast_in_dim3A_3, %scan3A_107 = %broadcast_in_dim3A_3, %scan3A_108 = %broadcast_in_dim3A_3, %scan3A_109 = %broadcast_in_dim3A_3, %scan3A_110 = %broadcast_in_dim3A_3) -> (vector<16xf32>, vector<16xf32>, vector<16xf32>, vector<16xf32>, vector<16xf32>, vector<16xf32>, vector<16xf32>, vector<16xf32>, vector<16xf32>)  : i32 {
        %parallel_loop3A_111 = arith.constant 128 : i32
        %parallel_loop3A_112 = arith.muli %scan3A_101, %parallel_loop3A_111 : i32
        %parallel_loop3A_113 = arith.addi %parallel_loop3A_112, %parallel_loop3A_14 : i32
        %parallel_loop3A_114 = vector.broadcast %parallel_loop3A_113 : i32 to vector<16xi32>
        %parallel_loop3A_115 = tpu.vector_load_idx %arg5[%parallel_loop3A_114] : memref<2560xi32, #tpu.memory_space<vmem>>[vector<16xi32>], vector<16xi32>,
        %parallel_loop3A_116 = arith.constant 1280 : i32
        %parallel_loop3A_117 = vector.broadcast %parallel_loop3A_116 : i32 to vector<16xi32>
        %parallel_loop3A_118 = arith.addi %parallel_loop3A_114, %parallel_loop3A_117 : vector<16xi32>
        %parallel_loop3A_119 = tpu.vector_load_idx %arg5[%parallel_loop3A_118] : memref<2560xi32, #tpu.memory_space<vmem>>[vector<16xi32>], vector<16xi32>,
        %parallel_loop3A_120 = tpu.vector_load_idx %arg6[%parallel_loop3A_114] : memref<2560xf32, #tpu.memory_space<vmem>>[vector<16xi32>], vector<16xf32>,
        %parallel_loop3A_121 = arith.constant 1280 : i32
        %parallel_loop3A_122 = vector.broadcast %parallel_loop3A_121 : i32 to vector<16xi32>
        %parallel_loop3A_123 = arith.addi %parallel_loop3A_114, %parallel_loop3A_122 : vector<16xi32>
        %parallel_loop3A_124 = tpu.vector_load_idx %arg6[%parallel_loop3A_123] : memref<2560xf32, #tpu.memory_space<vmem>>[vector<16xi32>], vector<16xf32>,
        %parallel_loop3A_125 = arith.constant 0 : i32
        %parallel_loop3A_126 = vector.broadcast %parallel_loop3A_125 : i32 to vector<16xi32>
        %parallel_loop3A_127 = arith.cmpi eq, %parallel_loop3A_115, %parallel_loop3A_126 : vector<16xi32>
        %parallel_loop3A_128 = arith.constant 0.000000e+00 : f32
        %parallel_loop3A_129 = vector.broadcast %parallel_loop3A_128 : f32 to vector<16xf32>
        %parallel_loop3A_130 = arith.select %parallel_loop3A_127, %parallel_loop3A_120, %parallel_loop3A_129 : vector<16xi1>, vector<16xf32>
        %parallel_loop3A_131 = arith.addf %scan3A_102, %parallel_loop3A_130 : vector<16xf32>
        %parallel_loop3A_132 = arith.constant 0 : i32
        %parallel_loop3A_133 = vector.broadcast %parallel_loop3A_132 : i32 to vector<16xi32>
        %parallel_loop3A_134 = arith.cmpi eq, %parallel_loop3A_119, %parallel_loop3A_133 : vector<16xi32>
        %parallel_loop3A_135 = arith.constant 0.000000e+00 : f32
        %parallel_loop3A_136 = vector.broadcast %parallel_loop3A_135 : f32 to vector<16xf32>
        %parallel_loop3A_137 = arith.select %parallel_loop3A_134, %parallel_loop3A_124, %parallel_loop3A_136 : vector<16xi1>, vector<16xf32>
        %parallel_loop3A_138 = arith.addf %parallel_loop3A_131, %parallel_loop3A_137 : vector<16xf32>
        %parallel_loop3A_139 = arith.constant 128 : i32
        %parallel_loop3A_140 = arith.muli %scan3A_101, %parallel_loop3A_139 : i32
        %parallel_loop3A_141 = arith.constant 0 : i32
        %parallel_loop3A_142 = arith.addi %parallel_loop3A_140, %parallel_loop3A_141 : i32
        %parallel_loop3A_143 = arith.index_cast %parallel_loop3A_142 : i32 to index
        %parallel_loop3A_144 = tpu.vector_load %arg5[%parallel_loop3A_143] {strides = array<i32>} : memref<2560xi32, #tpu.memory_space<vmem>>, vector<16xi32>,
        %parallel_loop3A_145 = arith.constant 1280 : i32
        %parallel_loop3A_146 = arith.addi %parallel_loop3A_145, %parallel_loop3A_142 : i32
        %parallel_loop3A_147 = arith.index_cast %parallel_loop3A_146 : i32 to index
        %parallel_loop3A_148 = tpu.vector_load %arg5[%parallel_loop3A_147] {strides = array<i32>} : memref<2560xi32, #tpu.memory_space<vmem>>, vector<16xi32>,
        %parallel_loop3A_149 = arith.index_cast %parallel_loop3A_142 : i32 to index
        %parallel_loop3A_150 = tpu.vector_load %arg7[%parallel_loop3A_149] {strides = array<i32>} : memref<2560xf32, #tpu.memory_space<vmem>>, vector<16xf32>,
        %parallel_loop3A_151 = arith.constant 1280 : i32
        %parallel_loop3A_152 = arith.addi %parallel_loop3A_151, %parallel_loop3A_142 : i32
        %parallel_loop3A_153 = arith.index_cast %parallel_loop3A_152 : i32 to index
        %parallel_loop3A_154 = tpu.vector_load %arg7[%parallel_loop3A_153] {strides = array<i32>} : memref<2560xf32, #tpu.memory_space<vmem>>, vector<16xf32>,
        %parallel_loop3A_155 = arith.cmpi eq, %parallel_loop3A_144, %parallel_loop3A_115 : vector<16xi32>
        %parallel_loop3A_156 = arith.mulf %parallel_loop3A_150, %parallel_loop3A_120 : vector<16xf32>
        %parallel_loop3A_157 = arith.constant 0.000000e+00 : f32
        %parallel_loop3A_158 = vector.broadcast %parallel_loop3A_157 : f32 to vector<16xf32>
        %parallel_loop3A_159 = arith.select %parallel_loop3A_155, %parallel_loop3A_156, %parallel_loop3A_158 : vector<16xi1>, vector<16xf32>
        %parallel_loop3A_160 = arith.cmpi eq, %parallel_loop3A_144, %parallel_loop3A_119 : vector<16xi32>
        %parallel_loop3A_161 = arith.mulf %parallel_loop3A_150, %parallel_loop3A_124 : vector<16xf32>
        %parallel_loop3A_162 = arith.constant 0.000000e+00 : f32
        %parallel_loop3A_163 = vector.broadcast %parallel_loop3A_162 : f32 to vector<16xf32>
        %parallel_loop3A_164 = arith.select %parallel_loop3A_160, %parallel_loop3A_161, %parallel_loop3A_163 : vector<16xi1>, vector<16xf32>
        %parallel_loop3A_165 = arith.addf %parallel_loop3A_159, %parallel_loop3A_164 : vector<16xf32>
        %parallel_loop3A_166 = arith.cmpi eq, %parallel_loop3A_148, %parallel_loop3A_115 : vector<16xi32>
        %parallel_loop3A_167 = arith.mulf %parallel_loop3A_154, %parallel_loop3A_120 : vector<16xf32>
        %parallel_loop3A_168 = arith.constant 0.000000e+00 : f32
        %parallel_loop3A_169 = vector.broadcast %parallel_loop3A_168 : f32 to vector<16xf32>
        %parallel_loop3A_170 = arith.select %parallel_loop3A_166, %parallel_loop3A_167, %parallel_loop3A_169 : vector<16xi1>, vector<16xf32>
        %parallel_loop3A_171 = arith.addf %parallel_loop3A_165, %parallel_loop3A_170 : vector<16xf32>
        %parallel_loop3A_172 = arith.cmpi eq, %parallel_loop3A_148, %parallel_loop3A_119 : vector<16xi32>
        %parallel_loop3A_173 = arith.mulf %parallel_loop3A_154, %parallel_loop3A_124 : vector<16xf32>
        %parallel_loop3A_174 = arith.constant 0.000000e+00 : f32
        %parallel_loop3A_175 = vector.broadcast %parallel_loop3A_174 : f32 to vector<16xf32>
        %parallel_loop3A_176 = arith.select %parallel_loop3A_172, %parallel_loop3A_173, %parallel_loop3A_175 : vector<16xi1>, vector<16xf32>
        %parallel_loop3A_177 = arith.addf %parallel_loop3A_171, %parallel_loop3A_176 : vector<16xf32>
        %parallel_loop3A_178 = arith.addf %scan3A_103, %parallel_loop3A_177 : vector<16xf32>
        %parallel_loop3A_179 = arith.constant 128 : i32
        %parallel_loop3A_180 = arith.muli %scan3A_101, %parallel_loop3A_179 : i32
        %parallel_loop3A_181 = arith.constant 16 : i32
        %parallel_loop3A_182 = arith.addi %parallel_loop3A_180, %parallel_loop3A_181 : i32
        %parallel_loop3A_183 = arith.index_cast %parallel_loop3A_182 : i32 to index
        %parallel_loop3A_184 = tpu.vector_load %arg5[%parallel_loop3A_183] {strides = array<i32>} : memref<2560xi32, #tpu.memory_space<vmem>>, vector<16xi32>,
        %parallel_loop3A_185 = arith.constant 1280 : i32
        %parallel_loop3A_186 = arith.addi %parallel_loop3A_185, %parallel_loop3A_182 : i32
        %parallel_loop3A_187 = arith.index_cast %parallel_loop3A_186 : i32 to index
        %parallel_loop3A_188 = tpu.vector_load %arg5[%parallel_loop3A_187] {strides = array<i32>} : memref<2560xi32, #tpu.memory_space<vmem>>, vector<16xi32>,
        %parallel_loop3A_189 = arith.index_cast %parallel_loop3A_182 : i32 to index
        %parallel_loop3A_190 = tpu.vector_load %arg7[%parallel_loop3A_189] {strides = array<i32>} : memref<2560xf32, #tpu.memory_space<vmem>>, vector<16xf32>,
        %parallel_loop3A_191 = arith.constant 1280 : i32
        %parallel_loop3A_192 = arith.addi %parallel_loop3A_191, %parallel_loop3A_182 : i32
        %parallel_loop3A_193 = arith.index_cast %parallel_loop3A_192 : i32 to index
        %parallel_loop3A_194 = tpu.vector_load %arg7[%parallel_loop3A_193] {strides = array<i32>} : memref<2560xf32, #tpu.memory_space<vmem>>, vector<16xf32>,
        %parallel_loop3A_195 = arith.cmpi eq, %parallel_loop3A_184, %parallel_loop3A_115 : vector<16xi32>
        %parallel_loop3A_196 = arith.mulf %parallel_loop3A_190, %parallel_loop3A_120 : vector<16xf32>
        %parallel_loop3A_197 = arith.constant 0.000000e+00 : f32
        %parallel_loop3A_198 = vector.broadcast %parallel_loop3A_197 : f32 to vector<16xf32>
        %parallel_loop3A_199 = arith.select %parallel_loop3A_195, %parallel_loop3A_196, %parallel_loop3A_198 : vector<16xi1>, vector<16xf32>
        %parallel_loop3A_200 = arith.cmpi eq, %parallel_loop3A_184, %parallel_loop3A_119 : vector<16xi32>
        %parallel_loop3A_201 = arith.mulf %parallel_loop3A_190, %parallel_loop3A_124 : vector<16xf32>
        %parallel_loop3A_202 = arith.constant 0.000000e+00 : f32
        %parallel_loop3A_203 = vector.broadcast %parallel_loop3A_202 : f32 to vector<16xf32>
        %parallel_loop3A_204 = arith.select %parallel_loop3A_200, %parallel_loop3A_201, %parallel_loop3A_203 : vector<16xi1>, vector<16xf32>
        %parallel_loop3A_205 = arith.addf %parallel_loop3A_199, %parallel_loop3A_204 : vector<16xf32>
        %parallel_loop3A_206 = arith.cmpi eq, %parallel_loop3A_188, %parallel_loop3A_115 : vector<16xi32>
        %parallel_loop3A_207 = arith.mulf %parallel_loop3A_194, %parallel_loop3A_120 : vector<16xf32>
        %parallel_loop3A_208 = arith.constant 0.000000e+00 : f32
        %parallel_loop3A_209 = vector.broadcast %parallel_loop3A_208 : f32 to vector<16xf32>
        %parallel_loop3A_210 = arith.select %parallel_loop3A_206, %parallel_loop3A_207, %parallel_loop3A_209 : vector<16xi1>, vector<16xf32>
        %parallel_loop3A_211 = arith.addf %parallel_loop3A_205, %parallel_loop3A_210 : vector<16xf32>
        %parallel_loop3A_212 = arith.cmpi eq, %parallel_loop3A_188, %parallel_loop3A_119 : vector<16xi32>
        %parallel_loop3A_213 = arith.mulf %parallel_loop3A_194, %parallel_loop3A_124 : vector<16xf32>
        %parallel_loop3A_214 = arith.constant 0.000000e+00 : f32
        %parallel_loop3A_215 = vector.broadcast %parallel_loop3A_214 : f32 to vector<16xf32>
        %parallel_loop3A_216 = arith.select %parallel_loop3A_212, %parallel_loop3A_213, %parallel_loop3A_215 : vector<16xi1>, vector<16xf32>
        %parallel_loop3A_217 = arith.addf %parallel_loop3A_211, %parallel_loop3A_216 : vector<16xf32>
        %parallel_loop3A_218 = arith.addf %scan3A_104, %parallel_loop3A_217 : vector<16xf32>
        %parallel_loop3A_219 = arith.constant 128 : i32
        %parallel_loop3A_220 = arith.muli %scan3A_101, %parallel_loop3A_219 : i32
        %parallel_loop3A_221 = arith.constant 32 : i32
        %parallel_loop3A_222 = arith.addi %parallel_loop3A_220, %parallel_loop3A_221 : i32
        %parallel_loop3A_223 = arith.index_cast %parallel_loop3A_222 : i32 to index
        %parallel_loop3A_224 = tpu.vector_load %arg5[%parallel_loop3A_223] {strides = array<i32>} : memref<2560xi32, #tpu.memory_space<vmem>>, vector<16xi32>,
        %parallel_loop3A_225 = arith.constant 1280 : i32
        %parallel_loop3A_226 = arith.addi %parallel_loop3A_225, %parallel_loop3A_222 : i32
        %parallel_loop3A_227 = arith.index_cast %parallel_loop3A_226 : i32 to index
        %parallel_loop3A_228 = tpu.vector_load %arg5[%parallel_loop3A_227] {strides = array<i32>} : memref<2560xi32, #tpu.memory_space<vmem>>, vector<16xi32>,
        %parallel_loop3A_229 = arith.index_cast %parallel_loop3A_222 : i32 to index
        %parallel_loop3A_230 = tpu.vector_load %arg7[%parallel_loop3A_229] {strides = array<i32>} : memref<2560xf32, #tpu.memory_space<vmem>>, vector<16xf32>,
        %parallel_loop3A_231 = arith.constant 1280 : i32
        %parallel_loop3A_232 = arith.addi %parallel_loop3A_231, %parallel_loop3A_222 : i32
        %parallel_loop3A_233 = arith.index_cast %parallel_loop3A_232 : i32 to index
        %parallel_loop3A_234 = tpu.vector_load %arg7[%parallel_loop3A_233] {strides = array<i32>} : memref<2560xf32, #tpu.memory_space<vmem>>, vector<16xf32>,
        %parallel_loop3A_235 = arith.cmpi eq, %parallel_loop3A_224, %parallel_loop3A_115 : vector<16xi32>
        %parallel_loop3A_236 = arith.mulf %parallel_loop3A_230, %parallel_loop3A_120 : vector<16xf32>
        %parallel_loop3A_237 = arith.constant 0.000000e+00 : f32
        %parallel_loop3A_238 = vector.broadcast %parallel_loop3A_237 : f32 to vector<16xf32>
        %parallel_loop3A_239 = arith.select %parallel_loop3A_235, %parallel_loop3A_236, %parallel_loop3A_238 : vector<16xi1>, vector<16xf32>
        %parallel_loop3A_240 = arith.cmpi eq, %parallel_loop3A_224, %parallel_loop3A_119 : vector<16xi32>
        %parallel_loop3A_241 = arith.mulf %parallel_loop3A_230, %parallel_loop3A_124 : vector<16xf32>
        %parallel_loop3A_242 = arith.constant 0.000000e+00 : f32
        %parallel_loop3A_243 = vector.broadcast %parallel_loop3A_242 : f32 to vector<16xf32>
        %parallel_loop3A_244 = arith.select %parallel_loop3A_240, %parallel_loop3A_241, %parallel_loop3A_243 : vector<16xi1>, vector<16xf32>
        %parallel_loop3A_245 = arith.addf %parallel_loop3A_239, %parallel_loop3A_244 : vector<16xf32>
        %parallel_loop3A_246 = arith.cmpi eq, %parallel_loop3A_228, %parallel_loop3A_115 : vector<16xi32>
        %parallel_loop3A_247 = arith.mulf %parallel_loop3A_234, %parallel_loop3A_120 : vector<16xf32>
        %parallel_loop3A_248 = arith.constant 0.000000e+00 : f32
        %parallel_loop3A_249 = vector.broadcast %parallel_loop3A_248 : f32 to vector<16xf32>
        %parallel_loop3A_250 = arith.select %parallel_loop3A_246, %parallel_loop3A_247, %parallel_loop3A_249 : vector<16xi1>, vector<16xf32>
        %parallel_loop3A_251 = arith.addf %parallel_loop3A_245, %parallel_loop3A_250 : vector<16xf32>
        %parallel_loop3A_252 = arith.cmpi eq, %parallel_loop3A_228, %parallel_loop3A_119 : vector<16xi32>
        %parallel_loop3A_253 = arith.mulf %parallel_loop3A_234, %parallel_loop3A_124 : vector<16xf32>
        %parallel_loop3A_254 = arith.constant 0.000000e+00 : f32
        %parallel_loop3A_255 = vector.broadcast %parallel_loop3A_254 : f32 to vector<16xf32>
        %parallel_loop3A_256 = arith.select %parallel_loop3A_252, %parallel_loop3A_253, %parallel_loop3A_255 : vector<16xi1>, vector<16xf32>
        %parallel_loop3A_257 = arith.addf %parallel_loop3A_251, %parallel_loop3A_256 : vector<16xf32>
        %parallel_loop3A_258 = arith.addf %scan3A_105, %parallel_loop3A_257 : vector<16xf32>
        %parallel_loop3A_259 = arith.constant 128 : i32
        %parallel_loop3A_260 = arith.muli %scan3A_101, %parallel_loop3A_259 : i32
        %parallel_loop3A_261 = arith.constant 48 : i32
        %parallel_loop3A_262 = arith.addi %parallel_loop3A_260, %parallel_loop3A_261 : i32
        %parallel_loop3A_263 = arith.index_cast %parallel_loop3A_262 : i32 to index
        %parallel_loop3A_264 = tpu.vector_load %arg5[%parallel_loop3A_263] {strides = array<i32>} : memref<2560xi32, #tpu.memory_space<vmem>>, vector<16xi32>,
        %parallel_loop3A_265 = arith.constant 1280 : i32
        %parallel_loop3A_266 = arith.addi %parallel_loop3A_265, %parallel_loop3A_262 : i32
        %parallel_loop3A_267 = arith.index_cast %parallel_loop3A_266 : i32 to index
        %parallel_loop3A_268 = tpu.vector_load %arg5[%parallel_loop3A_267] {strides = array<i32>} : memref<2560xi32, #tpu.memory_space<vmem>>, vector<16xi32>,
        %parallel_loop3A_269 = arith.index_cast %parallel_loop3A_262 : i32 to index
        %parallel_loop3A_270 = tpu.vector_load %arg7[%parallel_loop3A_269] {strides = array<i32>} : memref<2560xf32, #tpu.memory_space<vmem>>, vector<16xf32>,
        %parallel_loop3A_271 = arith.constant 1280 : i32
        %parallel_loop3A_272 = arith.addi %parallel_loop3A_271, %parallel_loop3A_262 : i32
        %parallel_loop3A_273 = arith.index_cast %parallel_loop3A_272 : i32 to index
        %parallel_loop3A_274 = tpu.vector_load %arg7[%parallel_loop3A_273] {strides = array<i32>} : memref<2560xf32, #tpu.memory_space<vmem>>, vector<16xf32>,
        %parallel_loop3A_275 = arith.cmpi eq, %parallel_loop3A_264, %parallel_loop3A_115 : vector<16xi32>
        %parallel_loop3A_276 = arith.mulf %parallel_loop3A_270, %parallel_loop3A_120 : vector<16xf32>
        %parallel_loop3A_277 = arith.constant 0.000000e+00 : f32
        %parallel_loop3A_278 = vector.broadcast %parallel_loop3A_277 : f32 to vector<16xf32>
        %parallel_loop3A_279 = arith.select %parallel_loop3A_275, %parallel_loop3A_276, %parallel_loop3A_278 : vector<16xi1>, vector<16xf32>
        %parallel_loop3A_280 = arith.cmpi eq, %parallel_loop3A_264, %parallel_loop3A_119 : vector<16xi32>
        %parallel_loop3A_281 = arith.mulf %parallel_loop3A_270, %parallel_loop3A_124 : vector<16xf32>
        %parallel_loop3A_282 = arith.constant 0.000000e+00 : f32
        %parallel_loop3A_283 = vector.broadcast %parallel_loop3A_282 : f32 to vector<16xf32>
        %parallel_loop3A_284 = arith.select %parallel_loop3A_280, %parallel_loop3A_281, %parallel_loop3A_283 : vector<16xi1>, vector<16xf32>
        %parallel_loop3A_285 = arith.addf %parallel_loop3A_279, %parallel_loop3A_284 : vector<16xf32>
        %parallel_loop3A_286 = arith.cmpi eq, %parallel_loop3A_268, %parallel_loop3A_115 : vector<16xi32>
        %parallel_loop3A_287 = arith.mulf %parallel_loop3A_274, %parallel_loop3A_120 : vector<16xf32>
        %parallel_loop3A_288 = arith.constant 0.000000e+00 : f32
        %parallel_loop3A_289 = vector.broadcast %parallel_loop3A_288 : f32 to vector<16xf32>
        %parallel_loop3A_290 = arith.select %parallel_loop3A_286, %parallel_loop3A_287, %parallel_loop3A_289 : vector<16xi1>, vector<16xf32>
        %parallel_loop3A_291 = arith.addf %parallel_loop3A_285, %parallel_loop3A_290 : vector<16xf32>
        %parallel_loop3A_292 = arith.cmpi eq, %parallel_loop3A_268, %parallel_loop3A_119 : vector<16xi32>
        %parallel_loop3A_293 = arith.mulf %parallel_loop3A_274, %parallel_loop3A_124 : vector<16xf32>
        %parallel_loop3A_294 = arith.constant 0.000000e+00 : f32
        %parallel_loop3A_295 = vector.broadcast %parallel_loop3A_294 : f32 to vector<16xf32>
        %parallel_loop3A_296 = arith.select %parallel_loop3A_292, %parallel_loop3A_293, %parallel_loop3A_295 : vector<16xi1>, vector<16xf32>
        %parallel_loop3A_297 = arith.addf %parallel_loop3A_291, %parallel_loop3A_296 : vector<16xf32>
        %parallel_loop3A_298 = arith.addf %scan3A_106, %parallel_loop3A_297 : vector<16xf32>
        %parallel_loop3A_299 = arith.constant 128 : i32
        %parallel_loop3A_300 = arith.muli %scan3A_101, %parallel_loop3A_299 : i32
        %parallel_loop3A_301 = arith.constant 64 : i32
        %parallel_loop3A_302 = arith.addi %parallel_loop3A_300, %parallel_loop3A_301 : i32
        %parallel_loop3A_303 = arith.index_cast %parallel_loop3A_302 : i32 to index
        %parallel_loop3A_304 = tpu.vector_load %arg5[%parallel_loop3A_303] {strides = array<i32>} : memref<2560xi32, #tpu.memory_space<vmem>>, vector<16xi32>,
        %parallel_loop3A_305 = arith.constant 1280 : i32
        %parallel_loop3A_306 = arith.addi %parallel_loop3A_305, %parallel_loop3A_302 : i32
        %parallel_loop3A_307 = arith.index_cast %parallel_loop3A_306 : i32 to index
        %parallel_loop3A_308 = tpu.vector_load %arg5[%parallel_loop3A_307] {strides = array<i32>} : memref<2560xi32, #tpu.memory_space<vmem>>, vector<16xi32>,
        %parallel_loop3A_309 = arith.index_cast %parallel_loop3A_302 : i32 to index
        %parallel_loop3A_310 = tpu.vector_load %arg7[%parallel_loop3A_309] {strides = array<i32>} : memref<2560xf32, #tpu.memory_space<vmem>>, vector<16xf32>,
        %parallel_loop3A_311 = arith.constant 1280 : i32
        %parallel_loop3A_312 = arith.addi %parallel_loop3A_311, %parallel_loop3A_302 : i32
        %parallel_loop3A_313 = arith.index_cast %parallel_loop3A_312 : i32 to index
        %parallel_loop3A_314 = tpu.vector_load %arg7[%parallel_loop3A_313] {strides = array<i32>} : memref<2560xf32, #tpu.memory_space<vmem>>, vector<16xf32>,
        %parallel_loop3A_315 = arith.cmpi eq, %parallel_loop3A_304, %parallel_loop3A_115 : vector<16xi32>
        %parallel_loop3A_316 = arith.mulf %parallel_loop3A_310, %parallel_loop3A_120 : vector<16xf32>
        %parallel_loop3A_317 = arith.constant 0.000000e+00 : f32
        %parallel_loop3A_318 = vector.broadcast %parallel_loop3A_317 : f32 to vector<16xf32>
        %parallel_loop3A_319 = arith.select %parallel_loop3A_315, %parallel_loop3A_316, %parallel_loop3A_318 : vector<16xi1>, vector<16xf32>
        %parallel_loop3A_320 = arith.cmpi eq, %parallel_loop3A_304, %parallel_loop3A_119 : vector<16xi32>
        %parallel_loop3A_321 = arith.mulf %parallel_loop3A_310, %parallel_loop3A_124 : vector<16xf32>
        %parallel_loop3A_322 = arith.constant 0.000000e+00 : f32
        %parallel_loop3A_323 = vector.broadcast %parallel_loop3A_322 : f32 to vector<16xf32>
        %parallel_loop3A_324 = arith.select %parallel_loop3A_320, %parallel_loop3A_321, %parallel_loop3A_323 : vector<16xi1>, vector<16xf32>
        %parallel_loop3A_325 = arith.addf %parallel_loop3A_319, %parallel_loop3A_324 : vector<16xf32>
        %parallel_loop3A_326 = arith.cmpi eq, %parallel_loop3A_308, %parallel_loop3A_115 : vector<16xi32>
        %parallel_loop3A_327 = arith.mulf %parallel_loop3A_314, %parallel_loop3A_120 : vector<16xf32>
        %parallel_loop3A_328 = arith.constant 0.000000e+00 : f32
        %parallel_loop3A_329 = vector.broadcast %parallel_loop3A_328 : f32 to vector<16xf32>
        %parallel_loop3A_330 = arith.select %parallel_loop3A_326, %parallel_loop3A_327, %parallel_loop3A_329 : vector<16xi1>, vector<16xf32>
        %parallel_loop3A_331 = arith.addf %parallel_loop3A_325, %parallel_loop3A_330 : vector<16xf32>
        %parallel_loop3A_332 = arith.cmpi eq, %parallel_loop3A_308, %parallel_loop3A_119 : vector<16xi32>
        %parallel_loop3A_333 = arith.mulf %parallel_loop3A_314, %parallel_loop3A_124 : vector<16xf32>
        %parallel_loop3A_334 = arith.constant 0.000000e+00 : f32
        %parallel_loop3A_335 = vector.broadcast %parallel_loop3A_334 : f32 to vector<16xf32>
        %parallel_loop3A_336 = arith.select %parallel_loop3A_332, %parallel_loop3A_333, %parallel_loop3A_335 : vector<16xi1>, vector<16xf32>
        %parallel_loop3A_337 = arith.addf %parallel_loop3A_331, %parallel_loop3A_336 : vector<16xf32>
        %parallel_loop3A_338 = arith.addf %scan3A_107, %parallel_loop3A_337 : vector<16xf32>
        %parallel_loop3A_339 = arith.constant 128 : i32
        %parallel_loop3A_340 = arith.muli %scan3A_101, %parallel_loop3A_339 : i32
        %parallel_loop3A_341 = arith.constant 80 : i32
        %parallel_loop3A_342 = arith.addi %parallel_loop3A_340, %parallel_loop3A_341 : i32
        %parallel_loop3A_343 = arith.index_cast %parallel_loop3A_342 : i32 to index
        %parallel_loop3A_344 = tpu.vector_load %arg5[%parallel_loop3A_343] {strides = array<i32>} : memref<2560xi32, #tpu.memory_space<vmem>>, vector<16xi32>,
        %parallel_loop3A_345 = arith.constant 1280 : i32
        %parallel_loop3A_346 = arith.addi %parallel_loop3A_345, %parallel_loop3A_342 : i32
        %parallel_loop3A_347 = arith.index_cast %parallel_loop3A_346 : i32 to index
        %parallel_loop3A_348 = tpu.vector_load %arg5[%parallel_loop3A_347] {strides = array<i32>} : memref<2560xi32, #tpu.memory_space<vmem>>, vector<16xi32>,
        %parallel_loop3A_349 = arith.index_cast %parallel_loop3A_342 : i32 to index
        %parallel_loop3A_350 = tpu.vector_load %arg7[%parallel_loop3A_349] {strides = array<i32>} : memref<2560xf32, #tpu.memory_space<vmem>>, vector<16xf32>,
        %parallel_loop3A_351 = arith.constant 1280 : i32
        %parallel_loop3A_352 = arith.addi %parallel_loop3A_351, %parallel_loop3A_342 : i32
        %parallel_loop3A_353 = arith.index_cast %parallel_loop3A_352 : i32 to index
        %parallel_loop3A_354 = tpu.vector_load %arg7[%parallel_loop3A_353] {strides = array<i32>} : memref<2560xf32, #tpu.memory_space<vmem>>, vector<16xf32>,
        %parallel_loop3A_355 = arith.cmpi eq, %parallel_loop3A_344, %parallel_loop3A_115 : vector<16xi32>
        %parallel_loop3A_356 = arith.mulf %parallel_loop3A_350, %parallel_loop3A_120 : vector<16xf32>
        %parallel_loop3A_357 = arith.constant 0.000000e+00 : f32
        %parallel_loop3A_358 = vector.broadcast %parallel_loop3A_357 : f32 to vector<16xf32>
        %parallel_loop3A_359 = arith.select %parallel_loop3A_355, %parallel_loop3A_356, %parallel_loop3A_358 : vector<16xi1>, vector<16xf32>
        %parallel_loop3A_360 = arith.cmpi eq, %parallel_loop3A_344, %parallel_loop3A_119 : vector<16xi32>
        %parallel_loop3A_361 = arith.mulf %parallel_loop3A_350, %parallel_loop3A_124 : vector<16xf32>
        %parallel_loop3A_362 = arith.constant 0.000000e+00 : f32
        %parallel_loop3A_363 = vector.broadcast %parallel_loop3A_362 : f32 to vector<16xf32>
        %parallel_loop3A_364 = arith.select %parallel_loop3A_360, %parallel_loop3A_361, %parallel_loop3A_363 : vector<16xi1>, vector<16xf32>
        %parallel_loop3A_365 = arith.addf %parallel_loop3A_359, %parallel_loop3A_364 : vector<16xf32>
        %parallel_loop3A_366 = arith.cmpi eq, %parallel_loop3A_348, %parallel_loop3A_115 : vector<16xi32>
        %parallel_loop3A_367 = arith.mulf %parallel_loop3A_354, %parallel_loop3A_120 : vector<16xf32>
        %parallel_loop3A_368 = arith.constant 0.000000e+00 : f32
        %parallel_loop3A_369 = vector.broadcast %parallel_loop3A_368 : f32 to vector<16xf32>
        %parallel_loop3A_370 = arith.select %parallel_loop3A_366, %parallel_loop3A_367, %parallel_loop3A_369 : vector<16xi1>, vector<16xf32>
        %parallel_loop3A_371 = arith.addf %parallel_loop3A_365, %parallel_loop3A_370 : vector<16xf32>
        %parallel_loop3A_372 = arith.cmpi eq, %parallel_loop3A_348, %parallel_loop3A_119 : vector<16xi32>
        %parallel_loop3A_373 = arith.mulf %parallel_loop3A_354, %parallel_loop3A_124 : vector<16xf32>
        %parallel_loop3A_374 = arith.constant 0.000000e+00 : f32
        %parallel_loop3A_375 = vector.broadcast %parallel_loop3A_374 : f32 to vector<16xf32>
        %parallel_loop3A_376 = arith.select %parallel_loop3A_372, %parallel_loop3A_373, %parallel_loop3A_375 : vector<16xi1>, vector<16xf32>
        %parallel_loop3A_377 = arith.addf %parallel_loop3A_371, %parallel_loop3A_376 : vector<16xf32>
        %parallel_loop3A_378 = arith.addf %scan3A_108, %parallel_loop3A_377 : vector<16xf32>
        %parallel_loop3A_379 = arith.constant 128 : i32
        %parallel_loop3A_380 = arith.muli %scan3A_101, %parallel_loop3A_379 : i32
        %parallel_loop3A_381 = arith.constant 96 : i32
        %parallel_loop3A_382 = arith.addi %parallel_loop3A_380, %parallel_loop3A_381 : i32
        %parallel_loop3A_383 = arith.index_cast %parallel_loop3A_382 : i32 to index
        %parallel_loop3A_384 = tpu.vector_load %arg5[%parallel_loop3A_383] {strides = array<i32>} : memref<2560xi32, #tpu.memory_space<vmem>>, vector<16xi32>,
        %parallel_loop3A_385 = arith.constant 1280 : i32
        %parallel_loop3A_386 = arith.addi %parallel_loop3A_385, %parallel_loop3A_382 : i32
        %parallel_loop3A_387 = arith.index_cast %parallel_loop3A_386 : i32 to index
        %parallel_loop3A_388 = tpu.vector_load %arg5[%parallel_loop3A_387] {strides = array<i32>} : memref<2560xi32, #tpu.memory_space<vmem>>, vector<16xi32>,
        %parallel_loop3A_389 = arith.index_cast %parallel_loop3A_382 : i32 to index
        %parallel_loop3A_390 = tpu.vector_load %arg7[%parallel_loop3A_389] {strides = array<i32>} : memref<2560xf32, #tpu.memory_space<vmem>>, vector<16xf32>,
        %parallel_loop3A_391 = arith.constant 1280 : i32
        %parallel_loop3A_392 = arith.addi %parallel_loop3A_391, %parallel_loop3A_382 : i32
        %parallel_loop3A_393 = arith.index_cast %parallel_loop3A_392 : i32 to index
        %parallel_loop3A_394 = tpu.vector_load %arg7[%parallel_loop3A_393] {strides = array<i32>} : memref<2560xf32, #tpu.memory_space<vmem>>, vector<16xf32>,
        %parallel_loop3A_395 = arith.cmpi eq, %parallel_loop3A_384, %parallel_loop3A_115 : vector<16xi32>
        %parallel_loop3A_396 = arith.mulf %parallel_loop3A_390, %parallel_loop3A_120 : vector<16xf32>
        %parallel_loop3A_397 = arith.constant 0.000000e+00 : f32
        %parallel_loop3A_398 = vector.broadcast %parallel_loop3A_397 : f32 to vector<16xf32>
        %parallel_loop3A_399 = arith.select %parallel_loop3A_395, %parallel_loop3A_396, %parallel_loop3A_398 : vector<16xi1>, vector<16xf32>
        %parallel_loop3A_400 = arith.cmpi eq, %parallel_loop3A_384, %parallel_loop3A_119 : vector<16xi32>
        %parallel_loop3A_401 = arith.mulf %parallel_loop3A_390, %parallel_loop3A_124 : vector<16xf32>
        %parallel_loop3A_402 = arith.constant 0.000000e+00 : f32
        %parallel_loop3A_403 = vector.broadcast %parallel_loop3A_402 : f32 to vector<16xf32>
        %parallel_loop3A_404 = arith.select %parallel_loop3A_400, %parallel_loop3A_401, %parallel_loop3A_403 : vector<16xi1>, vector<16xf32>
        %parallel_loop3A_405 = arith.addf %parallel_loop3A_399, %parallel_loop3A_404 : vector<16xf32>
        %parallel_loop3A_406 = arith.cmpi eq, %parallel_loop3A_388, %parallel_loop3A_115 : vector<16xi32>
        %parallel_loop3A_407 = arith.mulf %parallel_loop3A_394, %parallel_loop3A_120 : vector<16xf32>
        %parallel_loop3A_408 = arith.constant 0.000000e+00 : f32
        %parallel_loop3A_409 = vector.broadcast %parallel_loop3A_408 : f32 to vector<16xf32>
        %parallel_loop3A_410 = arith.select %parallel_loop3A_406, %parallel_loop3A_407, %parallel_loop3A_409 : vector<16xi1>, vector<16xf32>
        %parallel_loop3A_411 = arith.addf %parallel_loop3A_405, %parallel_loop3A_410 : vector<16xf32>
        %parallel_loop3A_412 = arith.cmpi eq, %parallel_loop3A_388, %parallel_loop3A_119 : vector<16xi32>
        %parallel_loop3A_413 = arith.mulf %parallel_loop3A_394, %parallel_loop3A_124 : vector<16xf32>
        %parallel_loop3A_414 = arith.constant 0.000000e+00 : f32
        %parallel_loop3A_415 = vector.broadcast %parallel_loop3A_414 : f32 to vector<16xf32>
        %parallel_loop3A_416 = arith.select %parallel_loop3A_412, %parallel_loop3A_413, %parallel_loop3A_415 : vector<16xi1>, vector<16xf32>
        %parallel_loop3A_417 = arith.addf %parallel_loop3A_411, %parallel_loop3A_416 : vector<16xf32>
        %parallel_loop3A_418 = arith.addf %scan3A_109, %parallel_loop3A_417 : vector<16xf32>
        %parallel_loop3A_419 = arith.constant 128 : i32
        %parallel_loop3A_420 = arith.muli %scan3A_101, %parallel_loop3A_419 : i32
        %parallel_loop3A_421 = arith.constant 112 : i32
        %parallel_loop3A_422 = arith.addi %parallel_loop3A_420, %parallel_loop3A_421 : i32
        %parallel_loop3A_423 = arith.index_cast %parallel_loop3A_422 : i32 to index
        %parallel_loop3A_424 = tpu.vector_load %arg5[%parallel_loop3A_423] {strides = array<i32>} : memref<2560xi32, #tpu.memory_space<vmem>>, vector<16xi32>,
        %parallel_loop3A_425 = arith.constant 1280 : i32
        %parallel_loop3A_426 = arith.addi %parallel_loop3A_425, %parallel_loop3A_422 : i32
        %parallel_loop3A_427 = arith.index_cast %parallel_loop3A_426 : i32 to index
        %parallel_loop3A_428 = tpu.vector_load %arg5[%parallel_loop3A_427] {strides = array<i32>} : memref<2560xi32, #tpu.memory_space<vmem>>, vector<16xi32>,
        %parallel_loop3A_429 = arith.index_cast %parallel_loop3A_422 : i32 to index
        %parallel_loop3A_430 = tpu.vector_load %arg7[%parallel_loop3A_429] {strides = array<i32>} : memref<2560xf32, #tpu.memory_space<vmem>>, vector<16xf32>,
        %parallel_loop3A_431 = arith.constant 1280 : i32
        %parallel_loop3A_432 = arith.addi %parallel_loop3A_431, %parallel_loop3A_422 : i32
        %parallel_loop3A_433 = arith.index_cast %parallel_loop3A_432 : i32 to index
        %parallel_loop3A_434 = tpu.vector_load %arg7[%parallel_loop3A_433] {strides = array<i32>} : memref<2560xf32, #tpu.memory_space<vmem>>, vector<16xf32>,
        %parallel_loop3A_435 = arith.cmpi eq, %parallel_loop3A_424, %parallel_loop3A_115 : vector<16xi32>
        %parallel_loop3A_436 = arith.mulf %parallel_loop3A_430, %parallel_loop3A_120 : vector<16xf32>
        %parallel_loop3A_437 = arith.constant 0.000000e+00 : f32
        %parallel_loop3A_438 = vector.broadcast %parallel_loop3A_437 : f32 to vector<16xf32>
        %parallel_loop3A_439 = arith.select %parallel_loop3A_435, %parallel_loop3A_436, %parallel_loop3A_438 : vector<16xi1>, vector<16xf32>
        %parallel_loop3A_440 = arith.cmpi eq, %parallel_loop3A_424, %parallel_loop3A_119 : vector<16xi32>
        %parallel_loop3A_441 = arith.mulf %parallel_loop3A_430, %parallel_loop3A_124 : vector<16xf32>
        %parallel_loop3A_442 = arith.constant 0.000000e+00 : f32
        %parallel_loop3A_443 = vector.broadcast %parallel_loop3A_442 : f32 to vector<16xf32>
        %parallel_loop3A_444 = arith.select %parallel_loop3A_440, %parallel_loop3A_441, %parallel_loop3A_443 : vector<16xi1>, vector<16xf32>
        %parallel_loop3A_445 = arith.addf %parallel_loop3A_439, %parallel_loop3A_444 : vector<16xf32>
        %parallel_loop3A_446 = arith.cmpi eq, %parallel_loop3A_428, %parallel_loop3A_115 : vector<16xi32>
        %parallel_loop3A_447 = arith.mulf %parallel_loop3A_434, %parallel_loop3A_120 : vector<16xf32>
        %parallel_loop3A_448 = arith.constant 0.000000e+00 : f32
        %parallel_loop3A_449 = vector.broadcast %parallel_loop3A_448 : f32 to vector<16xf32>
        %parallel_loop3A_450 = arith.select %parallel_loop3A_446, %parallel_loop3A_447, %parallel_loop3A_449 : vector<16xi1>, vector<16xf32>
        %parallel_loop3A_451 = arith.addf %parallel_loop3A_445, %parallel_loop3A_450 : vector<16xf32>
        %parallel_loop3A_452 = arith.cmpi eq, %parallel_loop3A_428, %parallel_loop3A_119 : vector<16xi32>
        %parallel_loop3A_453 = arith.mulf %parallel_loop3A_434, %parallel_loop3A_124 : vector<16xf32>
        %parallel_loop3A_454 = arith.constant 0.000000e+00 : f32
        %parallel_loop3A_455 = vector.broadcast %parallel_loop3A_454 : f32 to vector<16xf32>
        %parallel_loop3A_456 = arith.select %parallel_loop3A_452, %parallel_loop3A_453, %parallel_loop3A_455 : vector<16xi1>, vector<16xf32>
        %parallel_loop3A_457 = arith.addf %parallel_loop3A_451, %parallel_loop3A_456 : vector<16xf32>
        %parallel_loop3A_458 = arith.addf %scan3A_110, %parallel_loop3A_457 : vector<16xf32>
        scf.yield %parallel_loop3A_138, %parallel_loop3A_178, %parallel_loop3A_218, %parallel_loop3A_258, %parallel_loop3A_298, %parallel_loop3A_338, %parallel_loop3A_378, %parallel_loop3A_418, %parallel_loop3A_458 : vector<16xf32>, vector<16xf32>, vector<16xf32>, vector<16xf32>, vector<16xf32>, vector<16xf32>, vector<16xf32>, vector<16xf32>, vector<16xf32>
      }
      %parallel_loop3A_20 = arith.constant 10 : i32
      %parallel_loop3A_21 = arith.constant 0 : index
      %parallel_loop3A_22 = tpu.vector_load %arg8[%parallel_loop3A_21] {strides = array<i32>} : memref<128xf32, #tpu.memory_space<vmem>>, vector<16xf32>,
      %parallel_loop3A_23 = arith.mulf %parallel_loop3A_19#0, %parallel_loop3A_22 : vector<16xf32>
      %parallel_loop3A_24 = arith.addf %parallel_loop3A_19#1, %parallel_loop3A_23 : vector<16xf32>
      %parallel_loop3A_25 = arith.constant 128 : i32
      %parallel_loop3A_26 = arith.muli %parallel_loop3A_13, %parallel_loop3A_25 : i32
      %parallel_loop3A_27 = arith.constant 0 : i32
      %parallel_loop3A_28 = arith.addi %parallel_loop3A_26, %parallel_loop3A_27 : i32
      %parallel_loop3A_29 = arith.index_cast %parallel_loop3A_28 : i32 to index
      %parallel_loop3A_30 = tpu.vector_load %arg9[%parallel_loop3A_29] {strides = array<i32>} : memref<512xf32, #tpu.memory_space<vmem>>, vector<16xf32>,
      tpu.vector_store %arg9[%parallel_loop3A_29], %parallel_loop3A_24 {strides = array<i32>} : memref<512xf32, #tpu.memory_space<vmem>>, vector<16xf32>,
      %parallel_loop3A_31 = arith.constant 16 : index
      %parallel_loop3A_32 = tpu.vector_load %arg8[%parallel_loop3A_31] {strides = array<i32>} : memref<128xf32, #tpu.memory_space<vmem>>, vector<16xf32>,
      %parallel_loop3A_33 = arith.mulf %parallel_loop3A_19#0, %parallel_loop3A_32 : vector<16xf32>
      %parallel_loop3A_34 = arith.addf %parallel_loop3A_19#2, %parallel_loop3A_33 : vector<16xf32>
      %parallel_loop3A_35 = arith.constant 128 : i32
      %parallel_loop3A_36 = arith.muli %parallel_loop3A_13, %parallel_loop3A_35 : i32
      %parallel_loop3A_37 = arith.constant 16 : i32
      %parallel_loop3A_38 = arith.addi %parallel_loop3A_36, %parallel_loop3A_37 : i32
      %parallel_loop3A_39 = arith.index_cast %parallel_loop3A_38 : i32 to index
      %parallel_loop3A_40 = tpu.vector_load %arg9[%parallel_loop3A_39] {strides = array<i32>} : memref<512xf32, #tpu.memory_space<vmem>>, vector<16xf32>,
      tpu.vector_store %arg9[%parallel_loop3A_39], %parallel_loop3A_34 {strides = array<i32>} : memref<512xf32, #tpu.memory_space<vmem>>, vector<16xf32>,
      %parallel_loop3A_41 = arith.constant 32 : index
      %parallel_loop3A_42 = tpu.vector_load %arg8[%parallel_loop3A_41] {strides = array<i32>} : memref<128xf32, #tpu.memory_space<vmem>>, vector<16xf32>,
      %parallel_loop3A_43 = arith.mulf %parallel_loop3A_19#0, %parallel_loop3A_42 : vector<16xf32>
      %parallel_loop3A_44 = arith.addf %parallel_loop3A_19#3, %parallel_loop3A_43 : vector<16xf32>
      %parallel_loop3A_45 = arith.constant 128 : i32
      %parallel_loop3A_46 = arith.muli %parallel_loop3A_13, %parallel_loop3A_45 : i32
      %parallel_loop3A_47 = arith.constant 32 : i32
      %parallel_loop3A_48 = arith.addi %parallel_loop3A_46, %parallel_loop3A_47 : i32
      %parallel_loop3A_49 = arith.index_cast %parallel_loop3A_48 : i32 to index
      %parallel_loop3A_50 = tpu.vector_load %arg9[%parallel_loop3A_49] {strides = array<i32>} : memref<512xf32, #tpu.memory_space<vmem>>, vector<16xf32>,
      tpu.vector_store %arg9[%parallel_loop3A_49], %parallel_loop3A_44 {strides = array<i32>} : memref<512xf32, #tpu.memory_space<vmem>>, vector<16xf32>,
      %parallel_loop3A_51 = arith.constant 48 : index
      %parallel_loop3A_52 = tpu.vector_load %arg8[%parallel_loop3A_51] {strides = array<i32>} : memref<128xf32, #tpu.memory_space<vmem>>, vector<16xf32>,
      %parallel_loop3A_53 = arith.mulf %parallel_loop3A_19#0, %parallel_loop3A_52 : vector<16xf32>
      %parallel_loop3A_54 = arith.addf %parallel_loop3A_19#4, %parallel_loop3A_53 : vector<16xf32>
      %parallel_loop3A_55 = arith.constant 128 : i32
      %parallel_loop3A_56 = arith.muli %parallel_loop3A_13, %parallel_loop3A_55 : i32
      %parallel_loop3A_57 = arith.constant 48 : i32
      %parallel_loop3A_58 = arith.addi %parallel_loop3A_56, %parallel_loop3A_57 : i32
      %parallel_loop3A_59 = arith.index_cast %parallel_loop3A_58 : i32 to index
      %parallel_loop3A_60 = tpu.vector_load %arg9[%parallel_loop3A_59] {strides = array<i32>} : memref<512xf32, #tpu.memory_space<vmem>>, vector<16xf32>,
      tpu.vector_store %arg9[%parallel_loop3A_59], %parallel_loop3A_54 {strides = array<i32>} : memref<512xf32, #tpu.memory_space<vmem>>, vector<16xf32>,
      %parallel_loop3A_61 = arith.constant 64 : index
      %parallel_loop3A_62 = tpu.vector_load %arg8[%parallel_loop3A_61] {strides = array<i32>} : memref<128xf32, #tpu.memory_space<vmem>>, vector<16xf32>,
      %parallel_loop3A_63 = arith.mulf %parallel_loop3A_19#0, %parallel_loop3A_62 : vector<16xf32>
      %parallel_loop3A_64 = arith.addf %parallel_loop3A_19#5, %parallel_loop3A_63 : vector<16xf32>
      %parallel_loop3A_65 = arith.constant 128 : i32
      %parallel_loop3A_66 = arith.muli %parallel_loop3A_13, %parallel_loop3A_65 : i32
      %parallel_loop3A_67 = arith.constant 64 : i32
      %parallel_loop3A_68 = arith.addi %parallel_loop3A_66, %parallel_loop3A_67 : i32
      %parallel_loop3A_69 = arith.index_cast %parallel_loop3A_68 : i32 to index
      %parallel_loop3A_70 = tpu.vector_load %arg9[%parallel_loop3A_69] {strides = array<i32>} : memref<512xf32, #tpu.memory_space<vmem>>, vector<16xf32>,
      tpu.vector_store %arg9[%parallel_loop3A_69], %parallel_loop3A_64 {strides = array<i32>} : memref<512xf32, #tpu.memory_space<vmem>>, vector<16xf32>,
      %parallel_loop3A_71 = arith.constant 80 : index
      %parallel_loop3A_72 = tpu.vector_load %arg8[%parallel_loop3A_71] {strides = array<i32>} : memref<128xf32, #tpu.memory_space<vmem>>, vector<16xf32>,
      %parallel_loop3A_73 = arith.mulf %parallel_loop3A_19#0, %parallel_loop3A_72 : vector<16xf32>
      %parallel_loop3A_74 = arith.addf %parallel_loop3A_19#6, %parallel_loop3A_73 : vector<16xf32>
      %parallel_loop3A_75 = arith.constant 128 : i32
      %parallel_loop3A_76 = arith.muli %parallel_loop3A_13, %parallel_loop3A_75 : i32
      %parallel_loop3A_77 = arith.constant 80 : i32
      %parallel_loop3A_78 = arith.addi %parallel_loop3A_76, %parallel_loop3A_77 : i32
      %parallel_loop3A_79 = arith.index_cast %parallel_loop3A_78 : i32 to index
      %parallel_loop3A_80 = tpu.vector_load %arg9[%parallel_loop3A_79] {strides = array<i32>} : memref<512xf32, #tpu.memory_space<vmem>>, vector<16xf32>,
      tpu.vector_store %arg9[%parallel_loop3A_79], %parallel_loop3A_74 {strides = array<i32>} : memref<512xf32, #tpu.memory_space<vmem>>, vector<16xf32>,
      %parallel_loop3A_81 = arith.constant 96 : index
      %parallel_loop3A_82 = tpu.vector_load %arg8[%parallel_loop3A_81] {strides = array<i32>} : memref<128xf32, #tpu.memory_space<vmem>>, vector<16xf32>,
      %parallel_loop3A_83 = arith.mulf %parallel_loop3A_19#0, %parallel_loop3A_82 : vector<16xf32>
      %parallel_loop3A_84 = arith.addf %parallel_loop3A_19#7, %parallel_loop3A_83 : vector<16xf32>
      %parallel_loop3A_85 = arith.constant 128 : i32
      %parallel_loop3A_86 = arith.muli %parallel_loop3A_13, %parallel_loop3A_85 : i32
      %parallel_loop3A_87 = arith.constant 96 : i32
      %parallel_loop3A_88 = arith.addi %parallel_loop3A_86, %parallel_loop3A_87 : i32
      %parallel_loop3A_89 = arith.index_cast %parallel_loop3A_88 : i32 to index
      %parallel_loop3A_90 = tpu.vector_load %arg9[%parallel_loop3A_89] {strides = array<i32>} : memref<512xf32, #tpu.memory_space<vmem>>, vector<16xf32>,
      tpu.vector_store %arg9[%parallel_loop3A_89], %parallel_loop3A_84 {strides = array<i32>} : memref<512xf32, #tpu.memory_space<vmem>>, vector<16xf32>,
      %parallel_loop3A_91 = arith.constant 112 : index
      %parallel_loop3A_92 = tpu.vector_load %arg8[%parallel_loop3A_91] {strides = array<i32>} : memref<128xf32, #tpu.memory_space<vmem>>, vector<16xf32>,
      %parallel_loop3A_93 = arith.mulf %parallel_loop3A_19#0, %parallel_loop3A_92 : vector<16xf32>
      %parallel_loop3A_94 = arith.addf %parallel_loop3A_19#8, %parallel_loop3A_93 : vector<16xf32>
      %parallel_loop3A_95 = arith.constant 128 : i32
      %parallel_loop3A_96 = arith.muli %parallel_loop3A_13, %parallel_loop3A_95 : i32
      %parallel_loop3A_97 = arith.constant 112 : i32
      %parallel_loop3A_98 = arith.addi %parallel_loop3A_96, %parallel_loop3A_97 : i32
      %parallel_loop3A_99 = arith.index_cast %parallel_loop3A_98 : i32 to index
      %parallel_loop3A_100 = tpu.vector_load %arg9[%parallel_loop3A_99] {strides = array<i32>} : memref<512xf32, #tpu.memory_space<vmem>>, vector<16xf32>,
      tpu.vector_store %arg9[%parallel_loop3A_99], %parallel_loop3A_94 {strides = array<i32>} : memref<512xf32, #tpu.memory_space<vmem>>, vector<16xf32>,
    } {sc.loop_unroll_factor = 1 : i64, sc.parallel_access}
    %mul3A_11 = arith.constant 128 : i32
    %mul3A_12 = arith.muli %mul3A_2, %mul3A_11 : i32
    "tpu.region"() ({
      %run_scoped3A = tpu.sem_alloc : memref<!tpu.dma_semaphore, #tpu.memory_space<semaphore_mem>>
      %dma_start3A = tpu.memref_slice %arg4[%mul3A_12] : memref<16384xf32, #tpu.memory_space<hbm>> -> memref<512xf32, #tpu.memory_space<hbm>>
      %dma_start3A_13 = tpu.memref_slice %arg4[%mul3A_12] : memref<16384xf32, #tpu.memory_space<hbm>> -> memref<512xf32, #tpu.memory_space<hbm>>
      tpu.enqueue_dma source(%arg9 : memref<512xf32, #tpu.memory_space<vmem>>) target(%dma_start3A_13 : memref<512xf32, #tpu.memory_space<hbm>>) target_semaphore(%run_scoped3A : memref<!tpu.dma_semaphore, #tpu.memory_space<semaphore_mem>>)
      %dma_wait3A = tpu.memref_slice %arg4[%mul3A_12] : memref<16384xf32, #tpu.memory_space<hbm>> -> memref<512xf32, #tpu.memory_space<hbm>>
      %dma_wait3A_14 = tpu.memref_slice %arg4[%mul3A_12] : memref<16384xf32, #tpu.memory_space<hbm>> -> memref<512xf32, #tpu.memory_space<hbm>>
      tpu.wait_dma2 semaphore(%run_scoped3A : memref<!tpu.dma_semaphore, #tpu.memory_space<semaphore_mem>>) src(%arg9 : memref<512xf32, #tpu.memory_space<vmem>>) dst(%dma_wait3A_14 : memref<512xf32, #tpu.memory_space<hbm>>)
      tpu.yield
    }) : () -> ()
    return
  }
}

</mosaic_0001>

<sc_bundles>
// kernel: kernel.3.cloned.1.call-start
scs
__scs_entry_jumppad:
0x0: {  	(pc) =	sbr.rel $0x88, $3  }
0x1: {  	(tag) =	ssettag $0x0;
	lr =	simm.s32 $0x1  }
0x2: {  	[smem:$0x3F9D] =	sst lr;
	_ =	strace $0xD0000000  }
0x3: {  	_ = 	snop  }
0x4: {  	_ = 	snop  }
0x5: {  	_ = 	snop  }
0x6: {  	_ = 	snop  }
0x7: {  	_ = 	snop  }
__scs_overlays_trampoline_lowered:
0x8: {  	[smem:$0x3FAC] =	sst s0  }
0x9: {  	[smem:$0x3FAD] =	sst s1  }
0xa: {  	[smem:$0x3FAE] =	sst s2  }
0xb: {  	[smem:$0x3FAF] =	sst s3  }
0xc: {  	[smem:$0x3FB0] =	sst s4  }
0xd: {  	[smem:$0x3FB1] =	sst s5  }
0xe: {  	[smem:$0x3FB2] =	sst s6  }
0xf: {  	[smem:$0x3FB3] =	sst s7  }
0x10: {  	[smem:$0x3FB4] =	sst s8  }
0x11: {  	[smem:$0x3FB5] =	sst s9;
	s0 =	simm.s32 @!p0 $0x0  }
0x12: {  	s1 =	sld [smem:$0x3F9B];
	s0 =	simm.s32 @p0 $0x1  }
0x13: {  	[smem:$0x3FB6] =	sst s0;
	s0 =	simm.s32 @!p1 $0x0  }
0x14: {  	s2 =	sld [smem:$0x3F9A];
	s0 =	simm.s32 @p1 $0x1  }
0x15: {  	[smem:$0x3FB7] =	sst s0;
	s0 =	simm.s32 @!p2 $0x0  }
0x16: {  	s3 =	sld [smem:$0x3FDB];
	s0 =	simm.s32 @p2 $0x1  }
0x17: {  	s4 =	simm.s32 $0x1BF5;
	[smem:$0x3FB9] =	sst s0  }
0x18: {  	s0 =	sld [smem:$0x3F9C];
	_ =	swait.ge [sflag:s4], $0x0  }
0x19: {  	s7 =	sld [smem:$0x3F9D]  }
0x1a: {  	s8 =	sadd.s32 $0xFFFFE003, lr  }
0x1b: {  	s9 =	sadd.s32 $0xFFFFFEF7, lr;
	s5 =	simm.s32 $0xFFFFFFFF;
	p2 =	slt.u32 s8, $0xFFFFF086  }
0x1c: {  	p1 =	slt.u32 s9, $0xF7A;
	s5 =	simm.s32 @!p2 $0x0  }
0x1d: {  	s5 =	simm.s32 @p1 $0x1;
	p0 =	seq.s32 s7, s2  }
0x1e: {  	s7 =	smul.u32 @!p0 $0xF7A, s2;
	p2 =	seq.s32 @!p0 s5, $0x0  }
0x1f: {  	s9 =	smul.u32 $0xF7A, s1;
	s8 =	simm.s32 @!p0 $0x1BF5;
	p2 =	por !p2, p0  }
0x20: {  	[sflag:s8] =	ssyncset.s32 @!p0 $0xFFFFF086;
	s6 =	sadd.s32 @!p0 s3, s7;
	s7 =	simm.s32 @!p0 $0x108  }
0x21: {  	s3 =	sadd.s32 s3, s9;
	s6 =	sadd.s32 @!p0 $0x88, s6;
	s7 =	simm.s32 @p2 $0x1082  }
0x22: {  	[simem:s7], [sflag:s8] =	dma.local @!p0 [hbm:s6], $0xF7A  }
0x23: {  	s9 =	sor.u32 $0xD0000000, s2;
	s6 =	simm.s32 $0x108;
	_ =	swait.ge @!p0 [sflag:s8], $0x0  }
0x24: {  	s3 =	sadd.s32 $0x88, s3;
	s6 =	simm.s32 @!p1 $0x1082;
	[sflag:s4] =	ssyncset.s32 $0xFFFFF086  }
0x25: {  	[simem:s6], [sflag:s4] =	dma.local [hbm:s3], $0xF7A  }
0x26: {  	[smem:$0x3F9D] =	sst s1;
	(tag) =	ssettag s2;
	_ =	strace s9  }
0x27: {  	s1 =	sld [smem:$0x3FAD]  }
0x28: {  	s2 =	sld [smem:$0x3FAE]  }
0x29: {  	s4 =	sld [smem:$0x3FB0]  }
0x2a: {  	p0 =	seq.s32 s5, $0x0;
	s5 =	sld [smem:$0x3FB1]  }
0x2b: {  	s6 =	sld [smem:$0x3FB2]  }
0x2c: {  	s7 =	sld [smem:$0x3FB3]  }
0x2d: {  	s3 =	simm.s32 $0x108;
	s8 =	sld [smem:$0x3FB4]  }
0x2e: {  	s3 =	simm.s32 @!p0 $0x1082;
	s9 =	sld [smem:$0x3FB5]  }
0x2f: {  	lr =	sadd.s32 s0, s3;
	s0 =	sld [smem:$0x3FAC]  }
0x30: {  	s3 =	sld [smem:$0x3FAF]  }
0x31: {  	[smem:$0x3FB8] =	sst s10  }
0x32: {  	s10 =	sld [smem:$0x3FB6];
	_ =	sdelay $0x3  }
0x33: {  	p0 =	seq.s32 s10, $0x1;
	s10 =	sld [smem:$0x3FB8];
	_ =	sdelay $0x3  }
0x34: {  	[smem:$0x3FB8] =	sst s10  }
0x35: {  	s10 =	sld [smem:$0x3FB7];
	_ =	sdelay $0x3  }
0x36: {  	p1 =	seq.s32 s10, $0x1;
	s10 =	sld [smem:$0x3FB8];
	_ =	sdelay $0x3  }
0x37: {  	[smem:$0x3FB8] =	sst s10  }
0x38: {  	s10 =	sld [smem:$0x3FB9]  }
0x39: {  	_ = 	snop;
	(pc) =	sbr.ind lr, $3  }
0x3a: {  	_ = 	snop  }
0x3b: {  	_ = 	snop  }
0x3c: {  	p2 =	seq.s32 s10, $0x1;
	s10 =	sld [smem:$0x3FB8]  }
0x3d: {  	_ =	shalt  }
0x3e: {  	_ =	shalt  }
0x3f: {  	_ =	shalt  }
0x40: {  	_ =	shalt  }
0x41: {  	_ =	shalt  }
0x42: {  	_ =	shalt  }
0x43: {  	_ =	shalt  }
0x44: {  	_ =	shalt  }
0x45: {  	_ =	shalt  }
0x46: {  	_ =	shalt  }
0x47: {  	_ =	shalt  }
0x48: {  	_ =	shalt  }
0x49: {  	_ =	shalt  }
0x4a: {  	_ =	shalt  }
0x4b: {  	_ =	shalt  }
0x4c: {  	_ =	shalt  }
0x4d: {  	_ =	shalt  }
0x4e: {  	_ =	shalt  }
0x4f: {  	_ =	shalt  }
0x50: {  	_ =	shalt  }
0x51: {  	_ =	shalt  }
0x52: {  	_ =	shalt  }
0x53: {  	_ =	shalt  }
0x54: {  	_ =	shalt  }
0x55: {  	_ =	shalt  }
0x56: {  	_ =	shalt  }
0x57: {  	_ =	shalt  }
0x58: {  	_ =	shalt  }
0x59: {  	_ =	shalt  }
0x5a: {  	_ =	shalt  }
0x5b: {  	_ =	shalt  }
0x5c: {  	_ =	shalt  }
0x5d: {  	_ =	shalt  }
0x5e: {  	_ =	shalt  }
0x5f: {  	_ =	shalt  }
0x60: {  	_ =	shalt  }
0x61: {  	_ =	shalt  }
0x62: {  	_ =	shalt  }
0x63: {  	_ =	shalt  }
0x64: {  	_ =	shalt  }
0x65: {  	_ =	shalt  }
0x66: {  	_ =	shalt  }
0x67: {  	_ =	shalt  }
0x68: {  	_ =	shalt  }
0x69: {  	_ =	shalt  }
0x6a: {  	_ =	shalt  }
0x6b: {  	_ =	shalt  }
0x6c: {  	_ =	shalt  }
0x6d: {  	_ =	shalt  }
0x6e: {  	_ =	shalt  }
0x6f: {  	_ =	shalt  }
0x70: {  	_ =	shalt  }
0x71: {  	_ =	shalt  }
0x72: {  	_ =	shalt  }
0x73: {  	_ =	shalt  }
0x74: {  	_ =	shalt  }
0x75: {  	_ =	shalt  }
0x76: {  	_ =	shalt  }
0x77: {  	_ =	shalt  }
0x78: {  	_ =	shalt  }
0x79: {  	_ =	shalt  }
0x7a: {  	_ =	shalt  }
0x7b: {  	_ =	shalt  }
0x7c: {  	_ =	shalt  }
0x7d: {  	_ =	shalt  }
0x7e: {  	_ =	shalt  }
0x7f: {  	_ =	shalt  }
0x80: {  	_ =	shalt  }
0x81: {  	_ =	shalt  }
0x82: {  	_ =	shalt  }
0x83: {  	_ =	shalt  }
0x84: {  	_ =	shalt  }
0x85: {  	_ =	shalt  }
0x86: {  	_ =	shalt  }
0x87: {  	_ =	shalt  }
.Lfunc_end0:
.L_simem_size_0:
called_computation_lowered:
.L_overlay_start_0:
0x88: {  	s2 =	sld [smem:$0x3FD9]  }
0x89: {  	s3 =	sld [smem:$0x3FFE];
	_ =	sdelay $0x1  }
0x8a: {  	s1 =	srdreg.scid  }
0x8b: {  	s0 =	sand.u32 $0x1, s1  }
0x8c: {  	s17 =	sshll.u32 s0, $0xA;
	s2 =	sadd.s32 s3, s2  }
0x8d: {  	s2 =	sadd.s32 s2, s17  }
0x8e: {  	[smem:$0x3FC4] =	sst s2  }
0x8f: {  	_ = 	snop  }
0x90: {  	s2 =	sld [smem:$0x3FD0];
	(tm) =	ssettm $0x1  }
0x91: {  	s18 =	sld [smem:$0x3FFB];
	_ =	sdelay $0x3  }
0x92: {  	_ =	strace s18  }
0x93: {  	s3 =	sld [smem:$0x3FFC];
	_ =	sdelay $0x3  }
0x94: {  	_ =	strace s3  }
0x95: {  	s3 =	sld [smem:$0x3FFD];
	_ =	sdelay $0x3  }
0x96: {  	_ =	strace s3  }
0x97: {  	_ =	strace $0x8FFFFFFF  }
0x98: {  	s19 =	sld [smem:$0x3FDB];
	_ =	sdelay $0x1  }
0x99: {  	s4 =	simm.s32 $_scs_section_size  }
0x9a: {  	s5 =	simm.s32 $_size__tile_overlayer_lowered;
	s6 =	simm.s32 $_tile_overlayer_lowered  }
0x9b: {  	s22 =	simm.s32 $0x1BFF;
	s21 =	sshll.u32 s6, $0x1;
	s3 =	sadd.s32 s4, s19  }
0x9c: {  	s7 =	simm.s32 $0x0;
	s20 =	sshll.u32 s5, $0x1;
	s5 =	sadd.s32 s21, s3  }
0x9d: {  	[timem:s7], [sflag:s22] =	dma.local [hbm:s5], s20  }
0x9e: {  	_ =	swait.ge [sflag:s22], s20  }
0x9f: {  	s4 =	ssub.s32 $0x0, s20;
	[sflag:s22] =	ssyncset.done $0x0  }
0xa0: {  	[sflag:s22] =	ssyncadd.s32 s4;
	_ =	sdelay $0x1  }
0xa1: {  	s23 =	simm.s32 $0x1B8B  }
0xa2: {  	_ =	swait.ge [sflag:s23], $0x1  }
0xa3: {  	[sflag:s23] =	ssyncset.done $0x0  }
0xa4: {  	s25 =	simm.s32 $0x1B8E;
	s24 =	sld [smem:$0x3FFE];
	[sflag:s23] =	ssyncadd.s32 $0xFFFFFFFF  }
0xa5: {  	s26 =	simm.s32 $execute0_lowered;
	[smem:$0x3FD2] =	sst s25  }
0xa6: {  	s5 =	sshll.u32 s26, $0x1;
	_ =	strace $0x80000046;
	[dreg:$0x1] =	wrdreg $0xFFFFFFFF  }
0xa7: {  	s28 =	simm.s32 $_size_execute0_lowered;
	s3 =	sadd.s32 s3, s5;
	[dreg:$0x0] =	wrdreg $0x0  }
0xa8: {  	s5 =	sshll.u32 s28, $0x1;
	[dreg:$0x2] =	wrdreg s3  }
0xa9: {  	[dreg:$0x3] =	wrdreg s5  }
0xaa: {  	[dreg:$0x4] =	wrdreg $0xC0  }
0xab: {  	_ =	task [dreg:s7], $0x5FFFF  }
0xac: {  	[dreg:$0x1] =	wrdreg $0xFFFFFFFF  }
0xad: {  	[dreg:$0x0] =	wrdreg $0x60  }
0xae: {  	[dreg:$0x2] =	wrdreg s24  }
0xaf: {  	[dreg:$0x3] =	wrdreg s2  }
0xb0: {  	[dreg:$0x4] =	wrdreg $0x9  }
0xb1: {  	_ =	task.clear_ibuf [dreg:s7], $0x5FFFF;
	_ =	strace $0x90000046  }
0xb2: {  	s29 =	simm.s32 $0x9;
	_ =	strace $0x80000048  }
0xb3: {  	_ =	swait.ge [sflag:s29], $0x1  }
0xb4: {  	[sflag:s29] =	ssyncadd.s32 $0xFFFFFFFF  }
0xb5: {  	_ =	strace $0x90000048  }
0xb6: {  	_ =	sfence  }
0xb7: {  	s30 =	sld [smem:$0x0];
	_ =	sdelay $0x2  }
0xb8: {  	s31 =	sshll.u32 s1, $0xD;
	s1 =	sshrl.u32 s1, $0x2  }
0xb9: {  	s3 =	sand.u32 $0x4000, s31;
	s1 =	sadd.s32 s1, s30  }
0xba: {  	s0 =	sor.u32 s3, s0;
	s1 =	sshll.u32 s1, $0x11  }
0xbb: {  	s0 =	sor.u32 s1, s0  }
0xbc: {  	s0 =	sadd.s32 $0x8F2B, s0  }
0xbd: {  	[sflag:s0] =	ssyncadd.remote.s32 $0x1  }
0xbe: {  	_ =	sfence.sel $0xFFFF  }
0xbf: {  	[dreg:$0x0] =	wrdreg $0xFFFFFFFF;
	(pc) =	sbr.abs _section_cstart, $3  }
0xc0: {  	[dreg:$0x1] =	wrdreg $0xFFFFFFFF  }
0xc1: {  	_ =	task.clear_ibuf [dreg:s7], $0x2FFFF;
	_ =	strace $0x9FFFFFFF  }
0xc2: {  	(tm) =	ssettm $0x7FFFFFFF  }
0xc3: {  	_ =	shalt  }
tec
execute0_lowered:
.L_overlay_start_1:
0x0: {  	(tag) =	ssettag $0x1  }
0x1: {  	s2 =	rddreg [dreg:$0x0]  }
0x2: {  	s5 =	rddreg [dreg:$0x1]  }
0x3: {  	s0 =	rddreg [dreg:$0x2];
	s1 =	simm.s32 $0x0  }
0x4: {  	s3 =	srdreg.scid;
	s11 =	simm.s32 $0x1E80;
	s12 =	simm.s32 $0x3  }
0x5: {  	s13 =	simm.s32 $0x0;
	[smem:$0x7FF] =	sst s1;
	s6 =	sand.u32 $0x1, s3  }
0x6: {  	s3 =	sadd.s32 $0x800, s2;
	s4 =	sadd.s32 $0xA00, s2;
	s2 =	stileid.u32  }
0x7: {  	_ =	strace $0x80000047;
	s7 =	ssub.s32 $0x2, s6;
	s30 =	sshll.u32 s2, $0x7  }
0x8: {  	s9 =	sshll.u32 s6, $0x6;
	s31 =	sshll.u32 s2, $0x3;
	s8 =	sshrl.u32 s7, $0x1  }
0x9: {  	s10 =	sshll.u32 s6, $0x2;
	s7 =	ssub.s32 s7, s8;
	s8 =	sor.u32 s9, s30  }
0xa: {  	s9 =	simm.s32 $0x1;
	s5 =	sadd.s32 s5, s8;
	s6 =	smax.u32 s7, $0x1  }
0xb: {  	s7 =	sor.u32 s10, s31;
	s8 =	simm.s32 $0xA00;
	s10 =	simm.s32 $0x2  }
.LBB2_1:
0xc: {  	[tilespmem:s1], [sflag:$0x1] =	stream.linear.gather [hbm4b:s4+s1], $0xA00, $0x38;
	[tilespmem:$0x2080] =	vst v63  }
0xd: {  	_ = 	snop  }
0xe: {  	[tilespmem:s8], [sflag:$0x2] =	stream.linear.gather [hbm4b:s3+s1], $0xA00, $0x38;
	[tilespmem:$0x2080] =	vst v63  }
0xf: {  	_ =	swait.ge [sflag:s9], $0xA00  }
0x10: {  	[sflag:s9] =	ssyncset.done $0x0  }
0x11: {  	[sflag:s9] =	ssyncadd.s32 $0xFFFFF600  }
0x12: {  	_ =	swait.ge [sflag:s10], $0xA00  }
0x13: {  	[sflag:s10] =	ssyncset.done $0x0  }
0x14: {  	s14 =	simm.s32 $0x0;
	[sflag:s10] =	ssyncadd.s32 $0xFFFFF600  }
0x15: {  	v0 =	vld [tilespmem:s14+$0x0]  }
0x16: {  	v1 =	vld [tilespmem:s14+$0xA00]  }
0x17: {  	v2 =	vld [tilespmem:s14+$0x500]  }
0x18: {  	v3 =	vld [tilespmem:s14+$0xF00]  }
0x19: {  	v4 =	vld [tilespmem:s14+$0x80]  }
0x1a: {  	v5 =	vld [tilespmem:s14+$0xA80]  }
0x1b: {  	v6 =	vld [tilespmem:s14+$0x580]  }
0x1c: {  	v8 =	vld [tilespmem:s14+$0xF80];
	vm0 =	vgt.s32 v0, $0x0  }
0x1d: {  	v9 =	vld [tilespmem:s14+$0x100];
	v7 =	vnsel vm0, $0x0, v1;
	v1 =	vadd.f32 $0.0e+00, v1  }
0x1e: {  	v11 =	vld [tilespmem:s14+$0x600];
	vm6 =	vgt.s32 v2, $0x0;
	vm12 =	veq.s32 v0, $0x0;
	vm1 =	veq.s32 v2, $0x0  }
0x1f: {  	v52 =	vld [tilespmem:s14+$0x1000];
	[tilespmem:s14+$0x1400] =	vst v7;
	v7 =	vnsel vm6, $0x0, v3;
	v0 =	vnsel vm12, $0x0, v1;
	v1 =	vnsel vm1, $0x0, v3  }
0x20: {  	vm14 =	veq.s32 v4, $0x0;
	[tilespmem:s14+$0x1900] =	vst v7;
	v7 =	vld [tilespmem:s14+$0xB00];
	v0 =	vadd.f32 v1, v0  }
0x21: {  	v13 =	vld [tilespmem:s14+$0x180];
	vm7 =	vgt.s32 v4, $0x0;
	v4 =	vnsel vm14, $0x0, v5  }
0x22: {  	v53 =	vld [tilespmem:s14+$0xB80];
	vm15 =	veq.s32 v6, $0x0;
	v0 =	vadd.f32 v4, v0  }
0x23: {  	v15 =	vld [tilespmem:s14+$0x680];
	v4 =	vnsel vm15, $0x0, v8  }
0x24: {  	v54 =	vld [tilespmem:s14+$0x1080];
	vm5 =	veq.s32 v9, $0x0;
	v0 =	vadd.f32 v4, v0  }
0x25: {  	v17 =	vld [tilespmem:s14+$0x200];
	vm8 =	vgt.s32 v6, $0x0;
	v4 =	vnsel vm5, $0x0, v7  }
0x26: {  	v55 =	vld [tilespmem:s14+$0xC00];
	v10 =	vnsel vm7, $0x0, v5;
	vm7 =	veq.s32 v11, $0x0;
	v0 =	vadd.f32 v4, v0  }
0x27: {  	v19 =	vld [tilespmem:s14+$0x700];
	v12 =	vnsel vm8, $0x0, v8;
	v8 =	vnsel vm7, $0x0, v52  }
0x28: {  	v57 =	vld [tilespmem:s14+$0x800];
	vm8 =	veq.s32 v13, $0x0;
	v0 =	vadd.f32 v8, v0  }
0x29: {  	v58 =	vld [tilespmem:s14+$0x1200];
	vm10 =	vgt.s32 v11, $0x0;
	vm13 =	vgt.s32 v15, $0x0;
	v8 =	vnsel vm8, $0x0, v53  }
0x2a: {  	v2 =	vld [tilespmem:s14+$0x1100];
	v16 =	vnsel vm10, $0x0, v52;
	vm10 =	veq.s32 v15, $0x0;
	v0 =	vadd.f32 v8, v0  }
0x2b: {  	vm9 =	vgt.s32 v9, $0x0;
	v3 =	vld [tilespmem:s14+$0x280];
	v1 =	vnsel vm13, $0x0, v54;
	v8 =	vnsel vm10, $0x0, v54  }
0x2c: {  	vm4 =	vgt.s32 v17, $0x0;
	vm12 =	veq.s32 v17, $0x0;
	[tilespmem:s14+$0x1A80] =	vst v1;
	v1 =	vld [tilespmem:s14+$0xC80];
	v0 =	vadd.f32 v8, v0  }
0x2d: {  	vm11 =	vgt.s32 v13, $0x0;
	v6 =	vld [tilespmem:s14+$0x780];
	v5 =	vnsel vm4, $0x0, v55;
	v60 =	vnsel vm12, $0x0, v55  }
0x2e: {  	[tilespmem:s14+$0x1600] =	vst v5;
	vm6 =	vgt.s32 v19, $0x0;
	v5 =	vld [tilespmem:s14+$0x1180];
	vm13 =	veq.s32 v19, $0x0;
	v0 =	vadd.f32 v60, v0  }
0x2f: {  	v14 =	vnsel vm9, $0x0, v7;
	v7 =	vld [tilespmem:s14+$0x300];
	v4 =	vnsel vm6, $0x0, v2;
	v2 =	vnsel vm13, $0x0, v2  }
0x30: {  	vm9 =	vgt.s32 v3, $0x0;
	vm15 =	veq.s32 v3, $0x0;
	[tilespmem:s14+$0x1B00] =	vst v4;
	v4 =	vld [tilespmem:s14+$0xD00];
	v0 =	vadd.f32 v2, v0  }
0x31: {  	v18 =	vnsel vm11, $0x0, v53;
	v56 =	vnsel vm9, $0x0, v1;
	v1 =	vnsel vm15, $0x0, v1  }
0x32: {  	v59 =	vld [tilespmem:s14+$0x380];
	vm11 =	vgt.s32 v6, $0x0;
	vm5 =	veq.s32 v6, $0x0;
	v0 =	vadd.f32 v1, v0  }
0x33: {  	vm4 =	vgt.s32 v57, $0x0;
	[tilespmem:s14+$0x1480] =	vst v10;
	v3 =	vnsel vm5, $0x0, v5;
	v8 =	vnsel vm11, $0x0, v5  }
0x34: {  	vm6 =	veq.s32 v7, $0x0;
	[tilespmem:s14+$0x1B80] =	vst v8;
	v8 =	vld [tilespmem:s14+$0xD80];
	v1 =	vnsel vm4, $0x0, v58;
	v0 =	vadd.f32 v3, v0  }
0x35: {  	v62 =	vld [tilespmem:s14+$0x880];
	[tilespmem:s14+$0x1C00] =	vst v1;
	v1 =	vnsel vm6, $0x0, v4  }
0x36: {  	[tilespmem:s14+$0x1980] =	vst v12;
	vm8 =	veq.s32 v57, $0x0;
	v2 =	vld [tilespmem:s14+$0x1280];
	v0 =	vadd.f32 v1, v0  }
0x37: {  	[tilespmem:s14+$0x1A00] =	vst v16;
	vm7 =	vgt.s32 v59, $0x0;
	v6 =	vld [tilespmem:s14+$0x400];
	v1 =	vnsel vm8, $0x0, v58  }
0x38: {  	[tilespmem:s14+$0x1580] =	vst v18;
	vm14 =	vgt.s32 v7, $0x0;
	vm10 =	veq.s32 v59, $0x0;
	v5 =	vld [tilespmem:s14+$0xE00];
	v0 =	vadd.f32 v1, v0  }
0x39: {  	[tilespmem:s14+$0x1500] =	vst v14;
	v61 =	vnsel vm14, $0x0, v4;
	v4 =	vld [tilespmem:s14+$0x900];
	v3 =	vnsel vm7, $0x0, v8;
	v8 =	vnsel vm10, $0x0, v8  }
0x3a: {  	vm9 =	vgt.s32 v62, $0x0;
	[tilespmem:s14+$0x1680] =	vst v56;
	v7 =	vld [tilespmem:s14+$0x1300];
	vm11 =	veq.s32 v62, $0x0;
	v0 =	vadd.f32 v8, v0  }
0x3b: {  	[tilespmem:s14+$0x1780] =	vst v3;
	v3 =	vnsel vm9, $0x0, v2;
	v1 =	vld [tilespmem:s14+$0x480];
	v8 =	vnsel vm11, $0x0, v2  }
0x3c: {  	vm12 =	vgt.s32 v6, $0x0;
	vm13 =	veq.s32 v6, $0x0;
	[tilespmem:s14+$0x1C80] =	vst v3;
	v3 =	vld [tilespmem:s14+$0xE80];
	v0 =	vadd.f32 v8, v0  }
0x3d: {  	[tilespmem:s14+$0x1700] =	vst v61;
	v63 =	vnsel vm12, $0x0, v5;
	v5 =	vnsel vm13, $0x0, v5;
	v2 =	vld [tilespmem:s14+$0x980]  }
0x3e: {  	s15 =	simm.s32 $0x10;
	[tilespmem:s14+$0x1800] =	vst v63;
	vm14 =	veq.s32 v4, $0x0;
	vm15 =	vgt.s32 v4, $0x0;
	v4 =	vld [tilespmem:s14+$0x1380];
	v5 =	vadd.f32 v5, v0  }
0x3f: {  	s16 =	simm.s32 $0x80;
	v6 =	vnsel vm14, $0x0, v7;
	v7 =	vnsel vm15, $0x0, v7;
	v0 =	vld [tilespmem:s15+$0x0]  }
.LBB2_2:
0x40: {  	p0 =	sne.s32 s16, $0x1C0;
	v8 =	vld [tilespmem:s15+$0xA00];
	v5 =	vadd.f32 v6, v5;
	[tilespmem:s14+$0x1D00] =	vst v7;
	vm0 =	veq.s32 v1, $0x0;
	vm1 =	vgt.s32 v1, $0x0  }
0x41: {  	v1 =	vld [tilespmem:s15+$0x500];
	v6 =	vnsel vm0, $0x0, v3;
	v3 =	vnsel vm1, $0x0, v3  }
0x42: {  	v7 =	vld [tilespmem:s15+$0xF00];
	v5 =	vadd.f32 v6, v5;
	vm0 =	veq.s32 v2, $0x0;
	[tilespmem:s14+$0x1880] =	vst v3;
	vm1 =	vgt.s32 v2, $0x0  }
0x43: {  	v2 =	vld [tilespmem:s15+$0x80];
	v3 =	vnsel vm0, $0x0, v4;
	v4 =	vnsel vm1, $0x0, v4  }
0x44: {  	vm0 =	vgt.s32 v0, $0x0;
	v6 =	vld [tilespmem:s15+$0xA80];
	v3 =	vadd.f32 v3, v5;
	[tilespmem:s14+$0x1D80] =	vst v4  }
0x45: {  	v4 =	vadd.f32 $0.0e+00, v8;
	v5 =	vnsel vm0, $0x0, v8;
	v8 =	vld [tilespmem:s15+$0x580]  }
0x46: {  	vm0 =	veq.s32 v0, $0x0;
	vm1 =	veq.s32 v1, $0x0;
	vm2 =	vgt.s32 v1, $0x0;
	v0 =	vld [tilespmem:s15+$0xF80];
	[tilespmem:s14+$0x1E00] =	vst v3;
	s14 =	smov.u32 s15  }
0x47: {  	v1 =	vnsel vm0, $0x0, v4;
	v3 =	vnsel vm1, $0x0, v7;
	[tilespmem:s14+$0x1400] =	vst v5;
	v4 =	vnsel vm2, $0x0, v7;
	v5 =	vld [tilespmem:s14+$0x100]  }
0x48: {  	v1 =	vadd.f32 v3, v1;
	[tilespmem:s14+$0x1900] =	vst v4;
	vm0 =	veq.s32 v2, $0x0;
	vm1 =	vgt.s32 v2, $0x0;
	v2 =	vld [tilespmem:s14+$0xB00]  }
0x49: {  	v3 =	vnsel vm0, $0x0, v6;
	v4 =	vnsel vm1, $0x0, v6;
	v6 =	vld [tilespmem:s14+$0x600]  }
0x4a: {  	v1 =	vadd.f32 v3, v1;
	vm0 =	veq.s32 v8, $0x0;
	[tilespmem:s14+$0x1480] =	vst v4;
	vm1 =	vgt.s32 v8, $0x0;
	v3 =	vld [tilespmem:s14+$0x1000]  }
0x4b: {  	v4 =	vnsel vm0, $0x0, v0;
	v0 =	vnsel vm1, $0x0, v0;
	v7 =	vld [tilespmem:s14+$0x180]  }
0x4c: {  	v1 =	vadd.f32 v4, v1;
	[tilespmem:s14+$0x1980] =	vst v0;
	vm0 =	veq.s32 v5, $0x0;
	vm1 =	vgt.s32 v5, $0x0;
	v0 =	vld [tilespmem:s14+$0xB80]  }
0x4d: {  	v4 =	vnsel vm0, $0x0, v2;
	v2 =	vnsel vm1, $0x0, v2;
	v5 =	vld [tilespmem:s14+$0x680]  }
0x4e: {  	v1 =	vadd.f32 v4, v1;
	vm0 =	veq.s32 v6, $0x0;
	[tilespmem:s14+$0x1500] =	vst v2;
	vm1 =	vgt.s32 v6, $0x0;
	v2 =	vld [tilespmem:s14+$0x1080]  }
0x4f: {  	v4 =	vnsel vm0, $0x0, v3;
	v3 =	vnsel vm1, $0x0, v3;
	v6 =	vld [tilespmem:s14+$0x200]  }
0x50: {  	v1 =	vadd.f32 v4, v1;
	[tilespmem:s14+$0x1A00] =	vst v3;
	vm0 =	veq.s32 v7, $0x0;
	vm1 =	vgt.s32 v7, $0x0;
	v3 =	vld [tilespmem:s14+$0xC00]  }
0x51: {  	v4 =	vnsel vm0, $0x0, v0;
	v0 =	vnsel vm1, $0x0, v0;
	v7 =	vld [tilespmem:s14+$0x700]  }
0x52: {  	v1 =	vadd.f32 v4, v1;
	vm0 =	veq.s32 v5, $0x0;
	[tilespmem:s14+$0x1580] =	vst v0;
	vm1 =	vgt.s32 v5, $0x0;
	v0 =	vld [tilespmem:s14+$0x1100]  }
0x53: {  	v4 =	vnsel vm0, $0x0, v2;
	v2 =	vnsel vm1, $0x0, v2;
	v5 =	vld [tilespmem:s14+$0x280]  }
0x54: {  	v1 =	vadd.f32 v4, v1;
	[tilespmem:s14+$0x1A80] =	vst v2;
	vm0 =	veq.s32 v6, $0x0;
	vm1 =	vgt.s32 v6, $0x0;
	v2 =	vld [tilespmem:s14+$0xC80]  }
0x55: {  	v4 =	vnsel vm0, $0x0, v3;
	v3 =	vnsel vm1, $0x0, v3;
	v6 =	vld [tilespmem:s14+$0x780]  }
0x56: {  	v1 =	vadd.f32 v4, v1;
	vm0 =	veq.s32 v7, $0x0;
	[tilespmem:s14+$0x1600] =	vst v3;
	vm1 =	vgt.s32 v7, $0x0;
	v3 =	vld [tilespmem:s14+$0x1180]  }
0x57: {  	v4 =	vnsel vm0, $0x0, v0;
	v0 =	vnsel vm1, $0x0, v0;
	v7 =	vld [tilespmem:s14+$0x300]  }
0x58: {  	v1 =	vadd.f32 v4, v1;
	[tilespmem:s14+$0x1B00] =	vst v0;
	vm0 =	veq.s32 v5, $0x0;
	vm1 =	vgt.s32 v5, $0x0;
	v0 =	vld [tilespmem:s14+$0xD00]  }
0x59: {  	v4 =	vnsel vm0, $0x0, v2;
	v2 =	vnsel vm1, $0x0, v2;
	v5 =	vld [tilespmem:s14+$0x800]  }
0x5a: {  	v1 =	vadd.f32 v4, v1;
	vm0 =	veq.s32 v6, $0x0;
	[tilespmem:s14+$0x1680] =	vst v2;
	vm1 =	vgt.s32 v6, $0x0;
	v2 =	vld [tilespmem:s14+$0x1200]  }
0x5b: {  	v4 =	vnsel vm0, $0x0, v3;
	v3 =	vnsel vm1, $0x0, v3;
	v6 =	vld [tilespmem:s14+$0x380]  }
0x5c: {  	v1 =	vadd.f32 v4, v1;
	[tilespmem:s14+$0x1B80] =	vst v3;
	vm0 =	veq.s32 v7, $0x0;
	vm1 =	vgt.s32 v7, $0x0;
	v3 =	vld [tilespmem:s14+$0xD80]  }
0x5d: {  	v4 =	vnsel vm0, $0x0, v0;
	v0 =	vnsel vm1, $0x0, v0;
	v7 =	vld [tilespmem:s14+$0x880]  }
0x5e: {  	v1 =	vadd.f32 v4, v1;
	vm0 =	veq.s32 v5, $0x0;
	[tilespmem:s14+$0x1700] =	vst v0;
	vm1 =	vgt.s32 v5, $0x0;
	v0 =	vld [tilespmem:s14+$0x1280]  }
0x5f: {  	v4 =	vnsel vm0, $0x0, v2;
	v2 =	vnsel vm1, $0x0, v2;
	v5 =	vld [tilespmem:s14+$0x400]  }
0x60: {  	v1 =	vadd.f32 v4, v1;
	[tilespmem:s14+$0x1C00] =	vst v2;
	vm0 =	veq.s32 v6, $0x0;
	vm1 =	vgt.s32 v6, $0x0;
	v2 =	vld [tilespmem:s14+$0xE00]  }
0x61: {  	v4 =	vnsel vm0, $0x0, v3;
	v3 =	vnsel vm1, $0x0, v3;
	v6 =	vld [tilespmem:s14+$0x900]  }
0x62: {  	v4 =	vadd.f32 v4, v1;
	vm0 =	veq.s32 v7, $0x0;
	[tilespmem:s14+$0x1780] =	vst v3;
	vm1 =	vgt.s32 v7, $0x0;
	v7 =	vld [tilespmem:s14+$0x1300]  }
.Ltmp0:
0x63: {  	v3 =	vnsel vm0, $0x0, v0;
	v0 =	vnsel vm1, $0x0, v0;
	v1 =	vld [tilespmem:s14+$0x480];
	(pc) =	sbr.rel @p0 .LBB2_2-.Ltmp0, $4  }
0x64: {  	v4 =	vadd.f32 v3, v4;
	[tilespmem:s14+$0x1C80] =	vst v0;
	vm0 =	veq.s32 v5, $0x0;
	vm1 =	vgt.s32 v5, $0x0;
	v3 =	vld [tilespmem:s14+$0xE80]  }
0x65: {  	v0 =	vnsel vm0, $0x0, v2;
	v8 =	vnsel vm1, $0x0, v2;
	v2 =	vld [tilespmem:s14+$0x980]  }
0x66: {  	s15 =	sshra.s32 s16, $0x2;
	v5 =	vadd.f32 v0, v4;
	vm0 =	veq.s32 v6, $0x0;
	[tilespmem:s14+$0x1800] =	vst v8;
	vm1 =	vgt.s32 v6, $0x0;
	v4 =	vld [tilespmem:s14+$0x1380]  }
0x67: {  	s16 =	sadd.s32 $0x40, s16;
	v0 =	vld [tilespmem:s15+$0x0];
	v6 =	vnsel vm0, $0x0, v7;
	v7 =	vnsel vm1, $0x0, v7  }
0x68: {  	v8 =	vld [tilespmem:s15+$0xA00];
	[tilespmem:s14+$0x1D00] =	vst v7;
	vm0 =	vgt.s32 v1, $0x0;
	v5 =	vadd.f32 v6, v5;
	vm11 =	veq.s32 v1, $0x0  }
0x69: {  	v7 =	vld [tilespmem:s15+$0x500];
	v9 =	vnsel vm0, $0x0, v3;
	v1 =	vnsel vm11, $0x0, v3  }
0x6a: {  	v10 =	vld [tilespmem:s15+$0xF00];
	[tilespmem:s14+$0x1880] =	vst v9;
	vm12 =	vgt.s32 v2, $0x0;
	v1 =	vadd.f32 v1, v5;
	vm1 =	veq.s32 v2, $0x0  }
0x6b: {  	v50 =	vld [tilespmem:s15+$0x80];
	v51 =	vnsel vm12, $0x0, v4;
	v53 =	vnsel vm1, $0x0, v4  }
0x6c: {  	v52 =	vld [tilespmem:s15+$0xA80];
	[tilespmem:s14+$0x1D80] =	vst v51;
	v1 =	vadd.f32 v53, v1;
	vm13 =	vgt.s32 v0, $0x0  }
0x6d: {  	v2 =	vld [tilespmem:s15+$0x580];
	v55 =	vnsel vm13, $0x0, v8;
	v8 =	vadd.f32 $0.0e+00, v8  }
0x6e: {  	vm8 =	veq.s32 v0, $0x0;
	v54 =	vld [tilespmem:s15+$0xF80];
	[tilespmem:s14+$0x1E00] =	vst v1;
	vm14 =	vgt.s32 v7, $0x0;
	vm2 =	veq.s32 v7, $0x0  }
0x6f: {  	v56 =	vnsel vm14, $0x0, v10;
	v57 =	vld [tilespmem:s15+$0x100];
	v8 =	vnsel vm8, $0x0, v8;
	v10 =	vnsel vm2, $0x0, v10  }
0x70: {  	v58 =	vld [tilespmem:s15+$0xB00];
	v20 =	vadd.f32 v10, v8;
	vm9 =	veq.s32 v50, $0x0  }
0x71: {  	v11 =	vld [tilespmem:s15+$0x600];
	v5 =	vnsel vm9, $0x0, v52  }
0x72: {  	v60 =	vld [tilespmem:s15+$0x1000];
	v0 =	vadd.f32 v5, v20;
	vm11 =	veq.s32 v2, $0x0  }
0x73: {  	v13 =	vld [tilespmem:s15+$0x180];
	vm4 =	vgt.s32 v2, $0x0;
	v2 =	vnsel vm11, $0x0, v54  }
0x74: {  	v61 =	vld [tilespmem:s15+$0xB80];
	v0 =	vadd.f32 v2, v0;
	vm13 =	veq.s32 v57, $0x0  }
0x75: {  	v15 =	vld [tilespmem:s15+$0x680];
	v1 =	vnsel vm13, $0x0, v58  }
0x76: {  	v62 =	vld [tilespmem:s15+$0x1080];
	vm14 =	veq.s32 v11, $0x0;
	v0 =	vadd.f32 v1, v0  }
0x77: {  	v17 =	vld [tilespmem:s15+$0x200];
	v28 =	vnsel vm14, $0x0, v60  }
0x78: {  	v63 =	vld [tilespmem:s15+$0xC00];
	v12 =	vnsel vm4, $0x0, v54;
	vm4 =	veq.s32 v13, $0x0;
	v0 =	vadd.f32 v28, v0  }
0x79: {  	v19 =	vld [tilespmem:s15+$0x700];
	vm6 =	vgt.s32 v11, $0x0;
	v31 =	vnsel vm4, $0x0, v61  }
0x7a: {  	v21 =	vld [tilespmem:s15+$0x1100];
	v16 =	vnsel vm6, $0x0, v60;
	vm6 =	veq.s32 v15, $0x0;
	v0 =	vadd.f32 v31, v0  }
0x7b: {  	v23 =	vld [tilespmem:s15+$0x280];
	vm7 =	vgt.s32 v13, $0x0;
	v35 =	vnsel vm6, $0x0, v62  }
0x7c: {  	v24 =	vld [tilespmem:s15+$0xC80];
	v18 =	vnsel vm7, $0x0, v61;
	vm7 =	veq.s32 v17, $0x0;
	v0 =	vadd.f32 v35, v0  }
0x7d: {  	v26 =	vld [tilespmem:s15+$0x780];
	v37 =	vnsel vm7, $0x0, v63  }
0x7e: {  	v27 =	vld [tilespmem:s15+$0x1180];
	vm9 =	veq.s32 v19, $0x0;
	v0 =	vadd.f32 v37, v0  }
0x7f: {  	v30 =	vld [tilespmem:s15+$0x300];
	v3 =	vnsel vm9, $0x0, v21  }
0x80: {  	v32 =	vld [tilespmem:s15+$0xD00];
	vm11 =	veq.s32 v23, $0x0;
	v0 =	vadd.f32 v3, v0  }
0x81: {  	v34 =	vld [tilespmem:s15+$0x800];
	vm15 =	vgt.s32 v50, $0x0;
	vm12 =	vgt.s32 v17, $0x0;
	v4 =	vnsel vm11, $0x0, v24  }
0x82: {  	[tilespmem:s15+$0x1400] =	vst v55;
	v36 =	vld [tilespmem:s15+$0x1200];
	v25 =	vnsel vm12, $0x0, v63;
	vm12 =	veq.s32 v26, $0x0;
	v0 =	vadd.f32 v4, v0  }
0x83: {  	v39 =	vld [tilespmem:s15+$0x380];
	[tilespmem:s15+$0x1900] =	vst v56;
	v59 =	vnsel vm15, $0x0, v52;
	vm5 =	vgt.s32 v57, $0x0;
	v1 =	vnsel vm12, $0x0, v27  }
0x84: {  	v40 =	vld [tilespmem:s15+$0xD80];
	[tilespmem:s15+$0x1480] =	vst v59;
	vm10 =	vgt.s32 v15, $0x0;
	vm14 =	veq.s32 v30, $0x0;
	v0 =	vadd.f32 v1, v0  }
0x85: {  	v42 =	vld [tilespmem:s15+$0x880];
	[tilespmem:s15+$0x1980] =	vst v12;
	vm15 =	vgt.s32 v19, $0x0;
	v14 =	vnsel vm5, $0x0, v58;
	v46 =	vnsel vm14, $0x0, v32  }
0x86: {  	v43 =	vld [tilespmem:s15+$0x1280];
	vm8 =	vgt.s32 v26, $0x0;
	vm4 =	veq.s32 v34, $0x0;
	[tilespmem:s15+$0x1500] =	vst v14;
	v0 =	vadd.f32 v46, v0  }
0x87: {  	v45 =	vld [tilespmem:s15+$0x400];
	v22 =	vnsel vm10, $0x0, v62;
	vm5 =	vgt.s32 v23, $0x0;
	[tilespmem:s15+$0x1A00] =	vst v16;
	v2 =	vnsel vm4, $0x0, v36  }
0x88: {  	v47 =	vld [tilespmem:s15+$0xE00];
	[tilespmem:s15+$0x1580] =	vst v18;
	v33 =	vnsel vm5, $0x0, v24;
	vm5 =	veq.s32 v39, $0x0;
	v0 =	vadd.f32 v2, v0  }
0x89: {  	v49 =	vld [tilespmem:s15+$0x900];
	v29 =	vnsel vm15, $0x0, v21;
	v38 =	vnsel vm8, $0x0, v27;
	[tilespmem:s15+$0x1A80] =	vst v22;
	v51 =	vnsel vm5, $0x0, v40  }
0x8a: {  	v50 =	vld [tilespmem:s15+$0x1300];
	vm10 =	vgt.s32 v30, $0x0;
	[tilespmem:s15+$0x1600] =	vst v25;
	vm7 =	veq.s32 v42, $0x0;
	v0 =	vadd.f32 v51, v0  }
0x8b: {  	v53 =	vld [tilespmem:s15+$0x480];
	vm13 =	vgt.s32 v34, $0x0;
	vm15 =	vgt.s32 v39, $0x0;
	[tilespmem:s15+$0x1B00] =	vst v29;
	v54 =	vnsel vm7, $0x0, v43  }
0x8c: {  	v55 =	vld [tilespmem:s15+$0xE80];
	vm8 =	vgt.s32 v45, $0x0;
	vm9 =	veq.s32 v45, $0x0;
	[tilespmem:s15+$0x1B80] =	vst v38;
	v0 =	vadd.f32 v54, v0  }
0x8d: {  	v57 =	vld [tilespmem:s15+$0x980];
	v41 =	vnsel vm10, $0x0, v32;
	v44 =	vnsel vm13, $0x0, v36;
	[tilespmem:s15+$0x1680] =	vst v33;
	v4 =	vnsel vm9, $0x0, v47  }
0x8e: {  	v58 =	vld [tilespmem:s15+$0x1380];
	v48 =	vnsel vm15, $0x0, v40;
	vm10 =	veq.s32 v49, $0x0;
	[tilespmem:s15+$0x1700] =	vst v41;
	v0 =	vadd.f32 v4, v0  }
0x8f: {  	vm6 =	vgt.s32 v42, $0x0;
	v56 =	vnsel vm8, $0x0, v47;
	[tilespmem:s15+$0x1C00] =	vst v44;
	v59 =	vnsel vm10, $0x0, v50  }
0x90: {  	vm12 =	veq.s32 v53, $0x0;
	vm13 =	vgt.s32 v53, $0x0;
	[tilespmem:s15+$0x1780] =	vst v48;
	v0 =	vadd.f32 v59, v0  }
0x91: {  	v52 =	vnsel vm6, $0x0, v43;
	[tilespmem:s15+$0x1800] =	vst v56;
	v60 =	vnsel vm12, $0x0, v55;
	v61 =	vnsel vm13, $0x0, v55  }
0x92: {  	[tilespmem:s15+$0x1C80] =	vst v52;
	vm14 =	veq.s32 v57, $0x0;
	vm15 =	vgt.s32 v57, $0x0;
	v0 =	vadd.f32 v60, v0  }
0x93: {  	vm11 =	vgt.s32 v49, $0x0;
	[tilespmem:s15+$0x1880] =	vst v61;
	v62 =	vnsel vm14, $0x0, v58;
	v63 =	vnsel vm15, $0x0, v58  }
0x94: {  	[tilespmem:s15+$0x1D80] =	vst v63;
	v1 =	vnsel vm11, $0x0, v50;
	v0 =	vadd.f32 v62, v0  }
0x95: {  	[tilespmem:s15+$0x1D00] =	vst v1  }
0x96: {  	s14 =	simm.s32 $0x0;
	[tilespmem:s15+$0x1E00] =	vst v0;
	s15 =	smov.u32 s7  }
.LBB2_4:
0x97: {  	s16 =	simm.s32 $0x0  }
0x98: {  	v2 =	vld [tilespmem:s16+$0x0]  }
0x99: {  	v3 =	vld [tilespmem:s16+$0x10]  }
0x9a: {  	v6 =	vld [tilespmem:s16+$0x30]  }
0x9b: {  	v8 =	vld [tilespmem:s16+$0x1400]  }
0x9c: {  	v9 =	vld [tilespmem:s16+$0x1410]  }
0x9d: {  	v0 =	vmov s15;
	v10 =	vld [tilespmem:s16+$0x1420]  }
0x9e: {  	v11 =	vld [tilespmem:s16+$0x1430]  }
0x9f: {  	v13 =	vld [tilespmem:s16+$0x1450]  }
0xa0: {  	v1 =	vand.u32 $0x7FFFFFFF, v0;
	v20 =	vld [tilespmem:s16+$0x1470]  }
0xa1: {  	v23 =	vld [tilespmem:s16+$0x40];
	v1 =	vadd.s32 $0x500, v1  }
0xa2: {  	v15 =	vld.idx.msk [tilespmem:v0+s1+$0x0], $0xffff  }
0xa3: {  	v19 =	vld.idx.msk [tilespmem:v0+s8+$0x0], $0xffff  }
0xa4: {  	v25 =	vld [tilespmem:s16+$0x50]  }
0xa5: {  	v29 =	vld [tilespmem:s16+$0x70]  }
0xa6: {  	v0 =	vld.idx.msk [tilespmem:v1+s1+$0x0], $0xffff  }
0xa7: {  	v5 =	vimm.f32 $0.0e+00;
	v1 =	vld.idx.msk [tilespmem:v1+s8+$0x0], $0xffff;
	vm2 =	veq.s32 v15, $0x0  }
0xa8: {  	vm0 =	veq.s32 v2, v15;
	v18 =	vmul.f32 v8, v19;
	v21 =	vmul.f32 v9, v19  }
0xa9: {  	v12 =	vld [tilespmem:s16+$0x1440];
	vm1 =	veq.s32 v3, v15;
	v22 =	vmul.f32 v10, v19;
	v31 =	vmul.f32 v11, v19  }
0xaa: {  	v16 =	vld [tilespmem:s16+$0x1460];
	v32 =	vmul.f32 v13, v19;
	v33 =	vmul.f32 v20, v19;
	vm11 =	veq.s32 v6, v15  }
0xab: {  	v4 =	vld [tilespmem:s16+$0x20];
	vm12 =	veq.s32 v23, v15;
	vm13 =	veq.s32 v25, v15;
	v14 =	vnsel vm2, $0x0, v19  }
0xac: {  	vm14 =	veq.s32 v29, v15;
	v14 =	vadd.f32 v14, v5;
	v8 =	vmul.f32 v8, v1  }
0xad: {  	v27 =	vld [tilespmem:s16+$0x60];
	vm8 =	veq.s32 v0, $0x0;
	v24 =	vmul.f32 v9, v1;
	v10 =	vmul.f32 v10, v1  }
0xae: {  	v26 =	vmul.f32 v11, v1;
	vm2 =	veq.s32 v2, v0;
	v2 =	vmul.f32 v12, v1  }
0xaf: {  	v7 =	vld [tilespmem:s16+$0x500];
	v28 =	vmul.f32 v13, v1;
	vm3 =	veq.s32 v3, v0;
	v3 =	vmul.f32 v16, v1  }
0xb0: {  	v34 =	vld [tilespmem:s16+$0x1900];
	v30 =	vmul.f32 v20, v1;
	vm4 =	veq.s32 v4, v0;
	v12 =	vmul.f32 v12, v19  }
0xb1: {  	vm5 =	veq.s32 v6, v0;
	v16 =	vmul.f32 v16, v19;
	vm6 =	veq.s32 v23, v0  }
0xb2: {  	vm7 =	veq.s32 v25, v0;
	vm9 =	veq.s32 v27, v0;
	vm10 =	veq.s32 v29, v0  }
0xb3: {  	v36 =	vld [tilespmem:s16+$0x1960];
	v18 =	vnsel vm0, $0x0, v18;
	v21 =	vnsel vm1, $0x0, v21;
	v32 =	vnsel vm13, $0x0, v32  }
0xb4: {  	v11 =	vld [tilespmem:s16+$0x530];
	v37 =	vnsel vm14, $0x0, v33;
	vm0 =	veq.s32 v7, v15;
	v17 =	vnsel vm8, $0x0, v1  }
0xb5: {  	v6 =	vld [tilespmem:s16+$0x1920];
	v53 =	vmul.f32 v34, v1;
	vm8 =	veq.s32 v4, v15;
	v9 =	vadd.f32 v17, v14  }
0xb6: {  	v25 =	vld [tilespmem:s16+$0x1930];
	v8 =	vnsel vm2, $0x0, v8;
	vm2 =	veq.s32 v27, v15;
	v23 =	vnsel vm3, $0x0, v24  }
0xb7: {  	v29 =	vld [tilespmem:s16+$0x1950];
	v10 =	vnsel vm4, $0x0, v10;
	v24 =	vnsel vm5, $0x0, v26;
	v2 =	vnsel vm6, $0x0, v2  }
0xb8: {  	v13 =	vld [tilespmem:s16+$0x1970];
	v28 =	vnsel vm7, $0x0, v28;
	v3 =	vnsel vm9, $0x0, v3;
	v30 =	vnsel vm10, $0x0, v30  }
0xb9: {  	v20 =	vld [tilespmem:s16+$0x540];
	v22 =	vnsel vm8, $0x0, v22;
	v26 =	vnsel vm11, $0x0, v31;
	v31 =	vnsel vm12, $0x0, v12  }
0xba: {  	v4 =	vld [tilespmem:s16+$0x1910];
	v35 =	vnsel vm2, $0x0, v16;
	v48 =	vadd.f32 v8, v18;
	v43 =	vadd.f32 v23, v21  }
0xbb: {  	v17 =	vld [tilespmem:s16+$0x510];
	v8 =	vmul.f32 v34, v19;
	v38 =	vadd.f32 v10, v22;
	v33 =	vadd.f32 v24, v26  }
0xbc: {  	v14 =	vld [tilespmem:s16+$0x520];
	v24 =	vmul.f32 v36, v19;
	v26 =	vadd.f32 v2, v31;
	v23 =	vadd.f32 v28, v32  }
0xbd: {  	v27 =	vld [tilespmem:s16+$0x1940];
	v2 =	vimm.f32 $0.0e+00;
	v21 =	vadd.f32 v3, v35;
	v40 =	vmul.f32 v6, v19  }
0xbe: {  	v12 =	vld [tilespmem:s16+$0x570];
	v3 =	vimm.f32 $0.0e+00;
	v41 =	vmul.f32 v25, v19;
	v22 =	vmul.f32 v29, v19  }
0xbf: {  	v18 =	vld [tilespmem:s16+$0x550];
	v42 =	vmul.f32 v13, v19;
	vm11 =	veq.s32 v11, v15;
	vm12 =	veq.s32 v20, v15  }
0xc0: {  	v16 =	vld [tilespmem:s16+$0x560];
	v54 =	vnsel vm0, $0x0, v8;
	v35 =	vmul.f32 v25, v1;
	v25 =	vmul.f32 v29, v1  }
0xc1: {  	v8 =	vimm.f32 $0.0e+00;
	v39 =	vmul.f32 v4, v19;
	v45 =	vmul.f32 v4, v1  }
0xc2: {  	v4 =	vimm.f32 $0.0e+00;
	v10 =	vmul.f32 v27, v19;
	vm9 =	veq.s32 v17, v15  }
0xc3: {  	v19 =	vadd.f32 v30, v37;
	vm10 =	veq.s32 v14, v15;
	vm15 =	veq.s32 v12, v15  }
0xc4: {  	v44 =	vnsel vm11, $0x0, v41;
	v28 =	vmul.f32 v27, v1;
	vm13 =	veq.s32 v18, v15  }
0xc5: {  	vm14 =	veq.s32 v16, v15;
	v52 =	vnsel vm9, $0x0, v39;
	v49 =	vnsel vm10, $0x0, v40  }
0xc6: {  	v40 =	vmul.f32 v6, v1;
	v15 =	vimm.f32 $0.0e+00;
	v6 =	vimm.f32 $0.0e+00  }
0xc7: {  	v39 =	vnsel vm12, $0x0, v10;
	v34 =	vnsel vm13, $0x0, v22;
	v27 =	vnsel vm14, $0x0, v24  }
0xc8: {  	s18 =	simm.s32 $0x200;
	s17 =	simm.s32 $0x400;
	s16 =	smov.u32 s15;
	v22 =	vmul.f32 v36, v1;
	v24 =	vnsel vm15, $0x0, v42;
	v10 =	vimm.f32 $0.0e+00  }
.LBB2_5:
0xc9: {  	p0 =	sne.s32 s17, $0x1200;
	v29 =	vadd.f32 v54, v48;
	v30 =	vadd.f32 v52, v43;
	v1 =	vmul.f32 v13, v1  }
0xca: {  	s19 =	sshra.s32 s18, $0x2;
	vm0 =	veq.s32 v7, v0;
	v13 =	vadd.f32 v49, v38;
	v31 =	vadd.f32 v44, v33;
	s18 =	smov.u32 s17  }
0xcb: {  	vm1 =	veq.s32 v17, v0;
	v17 =	vadd.f32 v39, v26;
	v23 =	vadd.f32 v34, v23;
	v7 =	vld [tilespmem:s19+$0x500]  }
0xcc: {  	vm2 =	veq.s32 v14, v0;
	v14 =	vadd.f32 v27, v21;
	v19 =	vadd.f32 v24, v19;
	v26 =	vld [tilespmem:s19+$0x0]  }
0xcd: {  	vm3 =	veq.s32 v11, v0;
	vm4 =	veq.s32 v20, v0;
	vm5 =	veq.s32 v18, v0;
	v21 =	vld [tilespmem:s19+$0x10]  }
0xce: {  	vm6 =	veq.s32 v12, v0;
	s16 =	sadd.s32 $0x80, s16;
	v11 =	vnsel vm0, $0x0, v53;
	vm0 =	veq.s32 v16, v0;
	v18 =	vld [tilespmem:s19+$0x20]  }
0xcf: {  	v0 =	vmov s16;
	v16 =	vnsel vm1, $0x0, v45;
	v20 =	vnsel vm2, $0x0, v40;
	v12 =	vld [tilespmem:s19+$0x30]  }
0xd0: {  	v32 =	vnsel vm3, $0x0, v35;
	v28 =	vnsel vm4, $0x0, v28;
	v24 =	vand.u32 $0x7FFFFFFF, v0;
	v27 =	vld [tilespmem:s19+$0x1400]  }
0xd1: {  	v25 =	vnsel vm5, $0x0, v25;
	v34 =	vnsel vm0, $0x0, v22;
	v24 =	vadd.s32 $0x500, v24;
	v33 =	vld [tilespmem:s19+$0x1410]  }
0xd2: {  	v11 =	vadd.f32 v29, v11;
	v16 =	vadd.f32 v30, v16;
	v1 =	vnsel vm6, $0x0, v1;
	v35 =	vld [tilespmem:s19+$0x1420]  }
0xd3: {  	v13 =	vadd.f32 v13, v20;
	v20 =	vadd.f32 v31, v32;
	v29 =	vld [tilespmem:s19+$0x1430]  }
0xd4: {  	v17 =	vadd.f32 v17, v28;
	v23 =	vadd.f32 v23, v25;
	v22 =	vld.idx.msk [tilespmem:v0+s1+$0x0], $0xffff  }
0xd5: {  	v14 =	vadd.f32 v14, v34;
	v19 =	vadd.f32 v19, v1;
	v25 =	vld.idx.msk [tilespmem:v0+s8+$0x0], $0xffff  }
0xd6: {  	v5 =	vadd.f32 v11, v5;
	v15 =	vadd.f32 v16, v15;
	v0 =	vld.idx.msk [tilespmem:v24+s1+$0x0], $0xffff  }
0xd7: {  	v10 =	vadd.f32 v13, v10;
	v8 =	vadd.f32 v20, v8;
	v1 =	vld.idx.msk [tilespmem:v24+s8+$0x0], $0xffff  }
0xd8: {  	v6 =	vadd.f32 v17, v6;
	v4 =	vadd.f32 v23, v4;
	v11 =	vld [tilespmem:s19+$0x1440]  }
0xd9: {  	v3 =	vadd.f32 v14, v3;
	v2 =	vadd.f32 v19, v2;
	v13 =	vld [tilespmem:s19+$0x1450]  }
0xda: {  	vm2 =	veq.s32 v22, $0x0;
	vm0 =	veq.s32 v26, v22;
	vm1 =	veq.s32 v21, v22;
	v16 =	vld [tilespmem:s19+$0x1460]  }
0xdb: {  	v14 =	vnsel vm2, $0x0, v25;
	v19 =	vmul.f32 v27, v25;
	v20 =	vmul.f32 v33, v25;
	v23 =	vld [tilespmem:s19+$0x1470]  }
0xdc: {  	v24 =	vmul.f32 v35, v25;
	v9 =	vadd.f32 v14, v9;
	vm2 =	veq.s32 v0, $0x0;
	v28 =	vld [tilespmem:s19+$0x40]  }
0xdd: {  	v14 =	vnsel vm2, $0x0, v1;
	v27 =	vmul.f32 v27, v1;
	v30 =	vmul.f32 v33, v1;
	v31 =	vld [tilespmem:s19+$0x50]  }
0xde: {  	v32 =	vmul.f32 v35, v1;
	v33 =	vmul.f32 v29, v1;
	v9 =	vadd.f32 v14, v9;
	v34 =	vld [tilespmem:s19+$0x60]  }
0xdf: {  	vm2 =	veq.s32 v26, v0;
	v26 =	vmul.f32 v11, v1;
	v35 =	vmul.f32 v13, v1;
	v36 =	vld [tilespmem:s19+$0x70]  }
0xe0: {  	vm3 =	veq.s32 v21, v0;
	v21 =	vmul.f32 v16, v1;
	v17 =	vld [tilespmem:s19+$0x510];
	v37 =	vmul.f32 v23, v1  }
0xe1: {  	vm4 =	veq.s32 v18, v0;
	v29 =	vmul.f32 v29, v25;
	v38 =	vmul.f32 v11, v25;
	v14 =	vld [tilespmem:s19+$0x520]  }
0xe2: {  	vm5 =	veq.s32 v12, v0;
	v39 =	vmul.f32 v13, v25;
	v16 =	vmul.f32 v16, v25;
	v11 =	vld [tilespmem:s19+$0x530]  }
0xe3: {  	v23 =	vmul.f32 v23, v25;
	vm6 =	veq.s32 v28, v0;
	vm7 =	veq.s32 v31, v0;
	v40 =	vld [tilespmem:s19+$0x1900]  }
0xe4: {  	vm8 =	veq.s32 v18, v22;
	vm9 =	veq.s32 v34, v0;
	v41 =	vld [tilespmem:s19+$0x1910];
	vm10 =	veq.s32 v36, v0  }
0xe5: {  	vm11 =	veq.s32 v12, v22;
	vm12 =	veq.s32 v28, v22;
	vm13 =	veq.s32 v31, v22;
	v42 =	vld [tilespmem:s19+$0x1920]  }
0xe6: {  	v12 =	vnsel vm2, $0x0, v27;
	vm2 =	veq.s32 v34, v22;
	vm14 =	veq.s32 v36, v22;
	v27 =	vld [tilespmem:s19+$0x1930]  }
0xe7: {  	v28 =	vnsel vm3, $0x0, v30;
	v30 =	vnsel vm4, $0x0, v32;
	v31 =	vnsel vm5, $0x0, v33;
	v32 =	vld [tilespmem:s19+$0x1940]  }
0xe8: {  	v26 =	vnsel vm6, $0x0, v26;
	v34 =	vnsel vm7, $0x0, v35;
	v21 =	vnsel vm9, $0x0, v21;
	v36 =	vld [tilespmem:s19+$0x1950]  }
0xe9: {  	v18 =	vnsel vm0, $0x0, v19;
	v19 =	vnsel vm1, $0x0, v20;
	v35 =	vnsel vm10, $0x0, v37;
	v46 =	vld [tilespmem:s19+$0x1960]  }
0xea: {  	v24 =	vnsel vm8, $0x0, v24;
	v29 =	vnsel vm11, $0x0, v29;
	v37 =	vnsel vm12, $0x0, v38;
	v13 =	vld [tilespmem:s19+$0x1970]  }
0xeb: {  	v39 =	vnsel vm13, $0x0, v39;
	v44 =	vnsel vm2, $0x0, v16;
	v45 =	vnsel vm14, $0x0, v23;
	v20 =	vld [tilespmem:s19+$0x540]  }
0xec: {  	v48 =	vadd.f32 v12, v18;
	v47 =	vmul.f32 v40, v25;
	v49 =	vmul.f32 v41, v25;
	v18 =	vld [tilespmem:s19+$0x550]  }
0xed: {  	v43 =	vadd.f32 v28, v19;
	v28 =	vmul.f32 v42, v25;
	v50 =	vmul.f32 v27, v25;
	v16 =	vld [tilespmem:s19+$0x560]  }
0xee: {  	v38 =	vadd.f32 v30, v24;
	v24 =	vmul.f32 v32, v25;
	v30 =	vmul.f32 v36, v25;
	v12 =	vld [tilespmem:s19+$0x570]  }
0xef: {  	v33 =	vadd.f32 v31, v29;
	v29 =	vmul.f32 v46, v25;
	v31 =	vmul.f32 v13, v25  }
0xf0: {  	vm0 =	veq.s32 v7, v22;
	v23 =	vadd.f32 v34, v39;
	v26 =	vadd.f32 v26, v37  }
0xf1: {  	vm1 =	veq.s32 v17, v22;
	v21 =	vadd.f32 v21, v44;
	v19 =	vadd.f32 v35, v45  }
0xf2: {  	vm2 =	veq.s32 v14, v22;
	vm3 =	veq.s32 v11, v22;
	vm4 =	veq.s32 v20, v22  }
0xf3: {  	vm5 =	veq.s32 v18, v22;
	vm6 =	veq.s32 v16, v22;
	vm7 =	veq.s32 v12, v22  }
.Ltmp1:
0xf4: {  	v53 =	vmul.f32 v40, v1;
	v54 =	vnsel vm0, $0x0, v47;
	v52 =	vnsel vm1, $0x0, v49;
	(pc) =	sbr.rel @p0 .LBB2_5-.Ltmp1, $4  }
0xf5: {  	v45 =	vmul.f32 v41, v1;
	v40 =	vmul.f32 v42, v1;
	v49 =	vnsel vm2, $0x0, v28  }
0xf6: {  	v35 =	vmul.f32 v27, v1;
	v44 =	vnsel vm3, $0x0, v50;
	v39 =	vnsel vm4, $0x0, v24  }
0xf7: {  	v28 =	vmul.f32 v32, v1;
	v25 =	vmul.f32 v36, v1;
	v34 =	vnsel vm5, $0x0, v30  }
0xf8: {  	s17 =	sadd.s32 $0x200, s17;
	v27 =	vnsel vm6, $0x0, v29;
	v22 =	vmul.f32 v46, v1;
	v24 =	vnsel vm7, $0x0, v31  }
0xf9: {  	s17 =	sshra.s32 s18, $0x2  }
0xfa: {  	v55 =	vld [tilespmem:s17+$0x500]  }
0xfb: {  	v56 =	vld [tilespmem:s17+$0x0]  }
0xfc: {  	v57 =	vld [tilespmem:s17+$0x10]  }
0xfd: {  	v58 =	vld [tilespmem:s17+$0x20]  }
0xfe: {  	v59 =	vld [tilespmem:s17+$0x30]  }
0xff: {  	v60 =	vld [tilespmem:s17+$0x1400]  }
0x100: {  	s16 =	sadd.s32 $0x80, s16;
	v61 =	vld [tilespmem:s17+$0x1410]  }
0x101: {  	v29 =	vmov s16;
	v62 =	vld [tilespmem:s17+$0x1420]  }
0x102: {  	v63 =	vld [tilespmem:s17+$0x1430];
	v30 =	vand.u32 $0x7FFFFFFF, v29  }
0x103: {  	v50 =	vld [tilespmem:s17+$0x1440];
	v30 =	vadd.s32 $0x500, v30  }
0x104: {  	v36 =	vld [tilespmem:s17+$0x1450]  }
0x105: {  	v42 =	vld [tilespmem:s17+$0x1470]  }
0x106: {  	v31 =	vld.idx.msk [tilespmem:v29+s1+$0x0], $0xffff  }
0x107: {  	v32 =	vld.idx.msk [tilespmem:v29+s8+$0x0], $0xffff  }
0x108: {  	v29 =	vld.idx.msk [tilespmem:v30+s1+$0x0], $0xffff  }
0x109: {  	v30 =	vld.idx.msk [tilespmem:v30+s8+$0x0], $0xffff  }
0x10a: {  	v41 =	vld [tilespmem:s17+$0x1460]  }
0x10b: {  	[tilespmem:$0x1FF90] =	vst v36;
	v36 =	vld [tilespmem:s17+$0x1900]  }
0x10c: {  	v48 =	vadd.f32 v54, v48;
	vm0 =	veq.s32 v7, v0;
	v47 =	vld [tilespmem:s17+$0x60]  }
0x10d: {  	v52 =	vadd.f32 v52, v43;
	v51 =	vld [tilespmem:s17+$0x40];
	v7 =	vnsel vm0, $0x0, v53  }
0x10e: {  	v46 =	vld [tilespmem:s17+$0x50];
	v37 =	vadd.f32 v48, v7;
	[tilespmem:$0x1FFD0] =	vst v42;
	v42 =	vmul.f32 v60, v32;
	v60 =	vmul.f32 v60, v30  }
0x10f: {  	v54 =	vld [tilespmem:s17+$0x510];
	vm13 =	veq.s32 v56, v31;
	vm2 =	veq.s32 v31, $0x0;
	vm1 =	veq.s32 v56, v29  }
0x110: {  	v53 =	vld [tilespmem:s17+$0x520];
	[tilespmem:$0x1FFB0] =	vst v41;
	v7 =	vmul.f32 v36, v32;
	v48 =	vnsel vm13, $0x0, v42;
	v60 =	vnsel vm1, $0x0, v60  }
0x111: {  	[tilespmem:$0x1FFC0] =	vst v47;
	v41 =	vld [tilespmem:s17+$0x70];
	vm14 =	veq.s32 v55, v31;
	v47 =	vnsel vm2, $0x0, v32;
	v48 =	vadd.f32 v60, v48  }
0x112: {  	v43 =	vld [tilespmem:s17+$0x560];
	v9 =	vadd.f32 v47, v9;
	v7 =	vnsel vm14, $0x0, v7;
	v36 =	vmul.f32 v36, v30  }
0x113: {  	[tilespmem:$0x1FFA0] =	vst v46;
	v46 =	vld [tilespmem:s17+$0x530];
	vm15 =	veq.s32 v55, v29;
	vm4 =	veq.s32 v29, $0x0;
	v7 =	vadd.f32 v7, v48  }
0x114: {  	v37 =	vadd.f32 v37, v5;
	v36 =	vnsel vm15, $0x0, v36;
	v60 =	vld [tilespmem:$0x1E00];
	v48 =	vnsel vm4, $0x0, v30  }
0x115: {  	v5 =	vadd.f32 v48, v9;
	v9 =	vadd.f32 v7, v36;
	v36 =	vld [tilespmem:s17+$0x1970]  }
0x116: {  	[tilespmem:$0x1FFE0] =	vst v41;
	v41 =	vld [tilespmem:s17+$0x1920]  }
0x117: {  	v56 =	vld [tilespmem:s17+$0x1910]  }
0x118: {  	v42 =	vld [tilespmem:s17+$0x1930]  }
0x119: {  	v55 =	vld [tilespmem:s17+$0x1940]  }
0x11a: {  	v47 =	vld [tilespmem:s17+$0x1950];
	v9 =	vadd.f32 v9, v37;
	[tilespmem:$0x1FFF0] =	vst v36;
	v36 =	vmul.f32 v60, v5  }
0x11b: {  	v48 =	vld [tilespmem:s17+$0x1960];
	v60 =	vmul.f32 v61, v32;
	v61 =	vmul.f32 v61, v30  }
0x11c: {  	s31 =	sshll.u32 s14, $0x7;
	vm5 =	veq.s32 v57, v31;
	vm6 =	veq.s32 v57, v29;
	v7 =	vld [tilespmem:s17+$0x550];
	v36 =	vadd.f32 v36, v9  }
0x11d: {  	s16 =	sand.u32 $0x3FFFFF80, s31;
	v37 =	vld [tilespmem:s17+$0x540];
	v57 =	vnsel vm6, $0x0, v61;
	v60 =	vnsel vm5, $0x0, v60;
	v61 =	vmul.f32 v56, v32  }
0x11e: {  	vm7 =	veq.s32 v17, v0;
	vm8 =	veq.s32 v54, v31;
	v9 =	vld [tilespmem:s17+$0x570];
	v17 =	vadd.f32 v57, v60;
	[tilespmem:s16+$0x1E80] =	vst v36  }
0x11f: {  	v56 =	vmul.f32 v56, v30;
	v36 =	vnsel vm7, $0x0, v45;
	v60 =	vnsel vm8, $0x0, v61;
	v61 =	vld [tilespmem:$0x1E10]  }
0x120: {  	vm9 =	veq.s32 v54, v29;
	v36 =	vadd.f32 v52, v36;
	v17 =	vadd.f32 v60, v17  }
0x121: {  	v60 =	vnsel vm9, $0x0, v56  }
0x122: {  	v15 =	vadd.f32 v36, v15;
	v17 =	vadd.f32 v17, v60;
	_ =	sdelay $0x1  }
0x123: {  	v15 =	vadd.f32 v17, v15;
	v61 =	vmul.f32 v61, v5  }
0x124: {  	vm11 =	veq.s32 v58, v31;
	v54 =	vmul.f32 v62, v32;
	v56 =	vmul.f32 v62, v30  }
0x125: {  	vm10 =	veq.s32 v58, v29;
	v58 =	vmul.f32 v41, v32;
	v15 =	vadd.f32 v61, v15  }
0x126: {  	v52 =	vadd.f32 v49, v38;
	v38 =	vnsel vm11, $0x0, v54;
	v57 =	vnsel vm10, $0x0, v56  }
0x127: {  	vm12 =	veq.s32 v14, v0;
	vm13 =	veq.s32 v53, v31;
	v60 =	vadd.f32 v57, v38;
	[tilespmem:s16+$0x1E90] =	vst v15  }
0x128: {  	v45 =	vmul.f32 v41, v30;
	v62 =	vnsel vm13, $0x0, v58;
	v61 =	vnsel vm12, $0x0, v40;
	v49 =	vld [tilespmem:$0x1E20]  }
0x129: {  	vm14 =	veq.s32 v53, v29;
	v14 =	vadd.f32 v62, v60;
	v15 =	vadd.f32 v52, v61  }
0x12a: {  	v52 =	vnsel vm14, $0x0, v45  }
0x12b: {  	v14 =	vadd.f32 v14, v52;
	v10 =	vadd.f32 v15, v10;
	_ =	sdelay $0x1  }
0x12c: {  	v10 =	vadd.f32 v14, v10;
	v53 =	vmul.f32 v49, v5  }
0x12d: {  	vm15 =	veq.s32 v59, v29;
	v56 =	vmul.f32 v63, v30;
	v57 =	vmul.f32 v63, v32  }
0x12e: {  	vm4 =	veq.s32 v59, v31;
	vm5 =	veq.s32 v11, v0;
	v10 =	vadd.f32 v53, v10  }
0x12f: {  	v58 =	vnsel vm15, $0x0, v56;
	v59 =	vnsel vm4, $0x0, v57;
	v60 =	vmul.f32 v42, v32  }
0x130: {  	vm6 =	veq.s32 v46, v31;
	v54 =	vadd.f32 v44, v33;
	v61 =	vadd.f32 v58, v59;
	[tilespmem:s16+$0x1EA0] =	vst v10  }
0x131: {  	v36 =	vmul.f32 v42, v30;
	v62 =	vnsel vm5, $0x0, v35;
	v63 =	vnsel vm6, $0x0, v60;
	v38 =	vld [tilespmem:$0x1E30]  }
0x132: {  	vm7 =	veq.s32 v46, v29;
	v11 =	vadd.f32 v63, v61;
	v10 =	vadd.f32 v54, v62  }
0x133: {  	v40 =	vnsel vm7, $0x0, v36  }
0x134: {  	v41 =	vadd.f32 v11, v40;
	v8 =	vadd.f32 v10, v8;
	_ =	sdelay $0x1  }
0x135: {  	v8 =	vadd.f32 v41, v8;
	v42 =	vmul.f32 v38, v5  }
0x136: {  	v46 =	vmul.f32 v50, v32;
	vm8 =	veq.s32 v51, v29;
	v45 =	vmul.f32 v50, v30  }
0x137: {  	v44 =	vadd.f32 v39, v26;
	vm9 =	veq.s32 v51, v31;
	v8 =	vadd.f32 v42, v8  }
0x138: {  	v51 =	vmul.f32 v55, v32;
	v50 =	vnsel vm9, $0x0, v46;
	v49 =	vnsel vm8, $0x0, v45  }
0x139: {  	vm11 =	veq.s32 v37, v31;
	vm10 =	veq.s32 v20, v0;
	v10 =	vadd.f32 v49, v50;
	[tilespmem:s16+$0x1EB0] =	vst v8  }
0x13a: {  	v52 =	vnsel vm10, $0x0, v28;
	v53 =	vnsel vm11, $0x0, v51;
	v54 =	vmul.f32 v55, v30;
	v55 =	vld [tilespmem:$0x1E40]  }
0x13b: {  	vm12 =	veq.s32 v37, v29;
	v60 =	vld [tilespmem:$0x1FF90];
	v10 =	vadd.f32 v53, v10;
	v8 =	vadd.f32 v44, v52  }
0x13c: {  	v62 =	vld [tilespmem:$0x1FFA0];
	v56 =	vnsel vm12, $0x0, v54  }
0x13d: {  	v57 =	vadd.f32 v10, v56;
	v6 =	vadd.f32 v8, v6;
	_ =	sdelay $0x1  }
0x13e: {  	v20 =	vmul.f32 v47, v32;
	v6 =	vadd.f32 v57, v6;
	v58 =	vmul.f32 v55, v5  }
0x13f: {  	v61 =	vmul.f32 v60, v30;
	v14 =	vmul.f32 v60, v32  }
0x140: {  	vm13 =	veq.s32 v62, v29;
	vm14 =	veq.s32 v62, v31;
	v6 =	vadd.f32 v58, v6  }
0x141: {  	vm15 =	veq.s32 v18, v0;
	v63 =	vnsel vm13, $0x0, v61;
	v17 =	vnsel vm14, $0x0, v14  }
0x142: {  	vm4 =	veq.s32 v7, v31;
	v59 =	vadd.f32 v34, v23;
	v8 =	vadd.f32 v63, v17;
	[tilespmem:s16+$0x1EC0] =	vst v6  }
0x143: {  	v26 =	vmul.f32 v47, v30;
	v23 =	vnsel vm15, $0x0, v25;
	v25 =	vnsel vm4, $0x0, v20;
	v28 =	vld [tilespmem:$0x1E50]  }
0x144: {  	vm5 =	veq.s32 v7, v29;
	v36 =	vld [tilespmem:$0x1FFB0];
	v8 =	vadd.f32 v25, v8;
	v6 =	vadd.f32 v59, v23  }
0x145: {  	v7 =	vnsel vm5, $0x0, v26;
	v38 =	vld [tilespmem:$0x1FFC0]  }
0x146: {  	v33 =	vadd.f32 v8, v7;
	v4 =	vadd.f32 v6, v4;
	_ =	sdelay $0x1  }
0x147: {  	v4 =	vadd.f32 v33, v4;
	v34 =	vmul.f32 v28, v5  }
0x148: {  	v35 =	vadd.f32 v27, v21;
	v37 =	vmul.f32 v36, v30;
	v10 =	vmul.f32 v36, v32  }
0x149: {  	vm6 =	veq.s32 v38, v29;
	vm7 =	veq.s32 v38, v31;
	v4 =	vadd.f32 v34, v4  }
0x14a: {  	v41 =	vmul.f32 v48, v32;
	v39 =	vnsel vm6, $0x0, v37;
	v40 =	vnsel vm7, $0x0, v10  }
0x14b: {  	vm9 =	veq.s32 v43, v31;
	vm8 =	veq.s32 v16, v0;
	v6 =	vadd.f32 v39, v40;
	[tilespmem:s16+$0x1ED0] =	vst v4  }
0x14c: {  	v45 =	vmul.f32 v48, v30;
	v42 =	vnsel vm8, $0x0, v22;
	v44 =	vnsel vm9, $0x0, v41;
	v46 =	vld [tilespmem:$0x1E60]  }
0x14d: {  	vm10 =	veq.s32 v43, v29;
	v51 =	vld [tilespmem:$0x1FFD0];
	v6 =	vadd.f32 v44, v6;
	v4 =	vadd.f32 v35, v42  }
0x14e: {  	v47 =	vnsel vm10, $0x0, v45;
	v53 =	vld [tilespmem:$0x1FFE0]  }
0x14f: {  	v56 =	vld [tilespmem:$0x1FFF0];
	v48 =	vadd.f32 v6, v47;
	v3 =	vadd.f32 v4, v3;
	_ =	sdelay $0x1  }
0x150: {  	v1 =	vmul.f32 v13, v1;
	v3 =	vadd.f32 v48, v3;
	v49 =	vmul.f32 v46, v5  }
0x151: {  	v50 =	vadd.f32 v24, v19;
	v52 =	vmul.f32 v51, v30;
	v8 =	vmul.f32 v51, v32  }
0x152: {  	vm11 =	veq.s32 v53, v29;
	vm12 =	veq.s32 v53, v31;
	v3 =	vadd.f32 v49, v3  }
0x153: {  	v54 =	vnsel vm11, $0x0, v52;
	v57 =	vmul.f32 v56, v32;
	v55 =	vnsel vm12, $0x0, v8  }
0x154: {  	vm13 =	veq.s32 v12, v0;
	vm14 =	veq.s32 v9, v31;
	v58 =	vadd.f32 v54, v55;
	[tilespmem:s16+$0x1EE0] =	vst v3  }
0x155: {  	v1 =	vnsel vm13, $0x0, v1;
	v60 =	vmul.f32 v56, v30;
	v59 =	vnsel vm14, $0x0, v57;
	v61 =	vld [tilespmem:$0x1E70]  }
0x156: {  	vm15 =	veq.s32 v9, v29;
	v1 =	vadd.f32 v50, v1;
	v0 =	vadd.f32 v59, v58  }
0x157: {  	v62 =	vnsel vm15, $0x0, v60  }
0x158: {  	s14 =	sadd.s32 $0x1, s14;
	v1 =	vadd.f32 v1, v2;
	v0 =	vadd.f32 v0, v62  }
0x159: {  	p0 =	sne.s32 s14, $0x4  }
.Ltmp2:
0x15a: {  	v0 =	vadd.f32 v0, v1;
	v63 =	vmul.f32 v61, v5;
	(pc) =	sbr.rel @p0 .LBB2_4-.Ltmp2, $3  }
0x15b: {  	_ = 	snop  }
0x15c: {  	v0 =	vadd.f32 v63, v0;
	_ =	sdelay $0x1  }
0x15d: {  	s15 =	sadd.s32 $0x1, s15;
	[tilespmem:s16+$0x1EF0] =	vst v0  }
0x15e: {  	s13 =	sadd.s32 $0x1, s13  }
0x15f: {  	p0 =	sne.s32 s13, s6  }
.Ltmp3:
0x160: {  	_ = 	snop;
	(pc) =	sbr.rel @p0 .LBB2_1-.Ltmp3, $4  }
0x161: {  	[hbm4b:s5+s1] =	stream.linear.scatter [tilespmem:s11], [sflag:$0x3], $0x200, $0x38;
	[tilespmem:$0x2080] =	vst v63  }
0x162: {  	_ =	swait.ge [sflag:s12], $0x200  }
0x163: {  	[sflag:s12] =	ssyncset.done $0x0  }
0x164: {  	[sflag:s12] =	ssyncadd.s32 $0xFFFFFE00  }
0x165: {  	_ =	sfence.sel $0x180000  }
0x166: {  	[bflag:$0x0] =	sbarrier.arrive $0xFFFF  }
0x167: {  	p0 =	sne.s32 s2, $0x0;
	_ =	strace $0x90000047  }
0x168: {  	s0 =	sadd.s32 @!p0 $0x100000, s0;
	[bflag:$0x2] =	sbarrier.arrive $0xFFFF  }
0x169: {  	[sflag:s0] =	ssyncadd.tile.s32 @!p0 $0x1;
	_ =	shalt  }
.Lfunc_end2:
_tile_overlayer_lowered:
.L_overlay_start_2:
0x16a: {  	(tag) =	ssettag $0x2  }
0x16b: {  	s0 =	rddreg [dreg:$0x0];
	s2 =	stileid.u32  }
0x16c: {  	s1 =	rddreg [dreg:$0x1];
	p0 =	sne.s32 s2, $0x0  }
0x16d: {  	s3 =	rddreg [dreg:$0x2];
	[bflag:$0x3] =	sbarrier.arrive $0xFFFF;
	s2 =	simm.s32 @!p0 $0x1C03  }
0x16e: {  	[timem:s3], [sflag:s2] =	dma.local @!p0 [hbm:s0], s1  }
0x16f: {  	s0 =	simm.s32 @!p0 $0x3  }
0x170: {  	_ =	swait.ge @!p0 [sflag:s0], s1  }
0x171: {  	s1 =	ssub.s32 @!p0 $0x0, s1;
	[sflag:s0] =	ssyncset.done @!p0 $0x0  }
0x172: {  	[sflag:s0] =	ssyncadd.s32 @!p0 s1  }
0x173: {  	[bflag:$0x3] =	sbarrier.arrive $0xFFFF  }
0x174: {  	_ =	shalt  }

</sc_bundles>
